<compile_context>
chip_gen: v7x
topology: tpu7x:2x2x1
jax: 0.10.2.dev20260603
libtpu: 0.0.44.dev20260713+nightly
codegen_flags: <defaults>
</compile_context>

<pallas_src>
import functools

import jax
import jax.numpy as jnp
from jax import lax
from jax.experimental import pallas as pl
from jax.experimental.pallas import tpu as pltpu
from jax.experimental.pallas import tpu_sc as plsc

_NBUF = 8
_QW = 128


def _embed_call(B, D, num_cores, num_subcores):
    NW = num_cores * num_subcores
    b_per_w = B // NW
    mesh = plsc.VectorSubcoreMesh(core_axis_name="c", subcore_axis_name="s")
    n_outer = b_per_w // _NBUF

    @functools.partial(
        pl.kernel,
        mesh=mesh,
        out_type=jax.ShapeDtypeStruct((D, B), jnp.float32),
        scratch_types=[
            pltpu.VMEM_SHARED((num_subcores, b_per_w), jnp.int32),
            pltpu.SMEM((b_per_w,), jnp.int32),
            pltpu.VMEM((_NBUF, D, 128), jnp.float32),
            pltpu.VMEM((D, _QW), jnp.float32),
            pltpu.SemaphoreType.DMA((_NBUF,)),
        ],
        compiler_params=pltpu.CompilerParams(
            needs_layout_passes=False, skip_device_barrier=True
        ),
    )
    def emb(tab_t_hbm, idx_hbm, out_t_hbm, idx_sh, idx_s, blk_v, stage_v, sems):
        cid = lax.axis_index("c")
        sid = lax.axis_index("s")
        wid = sid * num_cores + cid
        base = wid * b_per_w
        pltpu.sync_copy(idx_hbm.at[pl.ds(base, b_per_w)], idx_sh.at[sid])
        pltpu.sync_copy(idx_sh.at[sid], idx_s)

        def fire(i, slot):
            c_off = pl.multiple_of(
                (idx_s[i] >> 7) * 128, 128
            )
            pltpu.async_copy(
                tab_t_hbm.at[:, pl.ds(c_off, 128)], blk_v.at[slot], sems.at[slot]
            )

        for b in range(_NBUF):
            fire(b, b)

        lanes = lax.iota(jnp.int32, 16)

        def outer(q, carry):
            for b in range(_NBUF):
                i = q * _NBUF + b
                pltpu.make_async_copy(
                    tab_t_hbm.at[:, pl.ds(0, 128)], blk_v.at[b], sems.at[b]
                ).wait()
                m = idx_s[i] & 127
                j = i % _QW
                m_v = jnp.full((16,), 0, jnp.int32) + m
                j_v = jnp.full((16,), 0, jnp.int32) + j
                for k in range(D // 16):
                    rows = lanes + (16 * k)
                    v = plsc.load_gather(blk_v.at[b], [rows, m_v])
                    plsc.store_scatter(stage_v, [rows, j_v], v)
                @pl.when(q < n_outer - 1)
                def _():
                    fire(i + _NBUF, b)

            @pl.when((q + 1) % (_QW // _NBUF) == 0)
            def _():
                q_off = pl.multiple_of(
                    base + ((q + 1) * _NBUF - _QW), 128
                )
                pltpu.sync_copy(stage_v, out_t_hbm.at[:, pl.ds(q_off, _QW)])

            return carry

        lax.fori_loop(0, n_outer, outer, 0)

    return emb


def kernel(x, table):
    (B,) = x.shape
    V, D = table.shape
    info = plsc.get_sparse_core_info()
    emb = _embed_call(B, D, info.num_cores, info.num_subcores)
    out_t = emb(table.T, x.astype(jnp.int32))
    return out_t.T

# --- scband reference (transcript-rebuilt; emitter-appended) ---
"""Pipeline reference for scband-label-embedder-36910948941940 (READ-ONLY COPY).

The authoritative reference and input builder live on the scoring server;
editing this copy changes nothing except your own understanding.
"""

import jax, jax.numpy as jnp
import numpy as np

NUM_CLASSES = 1000000
EMBED_DIM = 64
BATCH = 16384

def setup_inputs(seed: int = 0) -> dict:
    key = jax.random.key(seed)
    k1, k2 = jax.random.split(key)
    x = jax.random.randint(k1, (BATCH,), 0, NUM_CLASSES, dtype=jnp.int64 if jax.config.jax_enable_x64 else jnp.int32)
    # nn.Embedding default init: N(0, 1)
    table = jax.random.normal(k2, (NUM_CLASSES, EMBED_DIM), dtype=jnp.float32)
    return {"x": x, "table": table}

def reference(x, table):
    # Label_Embedder.forward: self.embedding(x)
    return jnp.take(table, x, axis=0)

if __name__ == "__main__":
    import jax
    _d = setup_inputs()
    print(jax.jit(kernel)(*tuple(_d.values())))

</pallas_src>

<mosaic_0001>
#map = affine_map<(d0, d1) -> (0, 0)>
#map1 = affine_map<(d0, d1) -> (0)>
module attributes {stable_mosaic.version = 14 : i64} {
  func.func @emb(%arg0: i32, %arg1: i32, %arg2: memref<64x1000000xf32, #tpu.memory_space<hbm>>, %arg3: memref<16384xi32, #tpu.memory_space<hbm>>, %arg4: memref<64x16384xf32, #tpu.memory_space<hbm>>, %arg5: memref<16x512xi32, #tpu.memory_space<vmem_shared>>, %arg6: memref<512xi32, #tpu.memory_space<smem>>, %arg7: memref<8x64x128xf32, #tpu.memory_space<vmem>>, %arg8: memref<64x128xf32, #tpu.memory_space<vmem>>, %arg9: memref<8x!tpu.dma_semaphore, #tpu.memory_space<semaphore_mem>>) attributes {dimension_semantics = [#tpu.dimension_semantics<core_parallel>, #tpu.dimension_semantics<subcore_parallel>], iteration_bounds = array<i64: 2, 16>, scalar_prefetch = 0 : i64, scratch_operands = 5 : i64, tpu.core_type = #tpu.core_type<sc_vector_subcore>, window_params = [{transform_indices = #map}, {transform_indices = #map1}, {transform_indices = #map}]} {
    %mul3A = arith.constant 2 : i32
    %mul3A_0 = arith.muli %arg1, %mul3A : i32
    %add3A = arith.addi %mul3A_0, %arg0 : i32
    %mul3A_1 = arith.constant 512 : i32
    %mul3A_2 = arith.muli %add3A, %mul3A_1 : i32
    "tpu.region"() ({
      %run_scoped3A = tpu.sem_alloc : memref<!tpu.dma_semaphore, #tpu.memory_space<semaphore_mem>>
      %dma_start3A_196 = arith.constant 0 : i32
      %dma_start3A_197 = tpu.memref_slice %arg5[%arg1, %dma_start3A_196] : memref<16x512xi32, #tpu.memory_space<vmem_shared>> -> memref<1x512xi32, #tpu.memory_space<vmem_shared>>
      %dma_start3A_198 = tpu.memref_squeeze %dma_start3A_197 : memref<1x512xi32, #tpu.memory_space<vmem_shared>> -> memref<512xi32, #tpu.memory_space<vmem_shared>>
      %dma_start3A_199 = tpu.memref_slice %arg3[%mul3A_2] : memref<16384xi32, #tpu.memory_space<hbm>> -> memref<512xi32, #tpu.memory_space<hbm>>
      tpu.enqueue_dma source(%dma_start3A_199 : memref<512xi32, #tpu.memory_space<hbm>>) target(%dma_start3A_198 : memref<512xi32, #tpu.memory_space<vmem_shared>>) target_semaphore(%run_scoped3A : memref<!tpu.dma_semaphore, #tpu.memory_space<semaphore_mem>>)
      %dma_wait3A = arith.constant 0 : i32
      %dma_wait3A_200 = tpu.memref_slice %arg5[%arg1, %dma_wait3A] : memref<16x512xi32, #tpu.memory_space<vmem_shared>> -> memref<1x512xi32, #tpu.memory_space<vmem_shared>>
      %dma_wait3A_201 = tpu.memref_squeeze %dma_wait3A_200 : memref<1x512xi32, #tpu.memory_space<vmem_shared>> -> memref<512xi32, #tpu.memory_space<vmem_shared>>
      %dma_wait3A_202 = tpu.memref_slice %arg3[%mul3A_2] : memref<16384xi32, #tpu.memory_space<hbm>> -> memref<512xi32, #tpu.memory_space<hbm>>
      tpu.wait_dma2 semaphore(%run_scoped3A : memref<!tpu.dma_semaphore, #tpu.memory_space<semaphore_mem>>) src(%dma_wait3A_202 : memref<512xi32, #tpu.memory_space<hbm>>) dst(%dma_wait3A_201 : memref<512xi32, #tpu.memory_space<vmem_shared>>)
      tpu.yield
    }) : () -> ()
    "tpu.region"() ({
      %run_scoped3A = tpu.sem_alloc : memref<!tpu.dma_semaphore, #tpu.memory_space<semaphore_mem>>
      %dma_start3A_196 = arith.constant 0 : i32
      %dma_start3A_197 = tpu.memref_slice %arg5[%arg1, %dma_start3A_196] : memref<16x512xi32, #tpu.memory_space<vmem_shared>> -> memref<1x512xi32, #tpu.memory_space<vmem_shared>>
      %dma_start3A_198 = tpu.memref_squeeze %dma_start3A_197 : memref<1x512xi32, #tpu.memory_space<vmem_shared>> -> memref<512xi32, #tpu.memory_space<vmem_shared>>
      tpu.enqueue_dma source(%dma_start3A_198 : memref<512xi32, #tpu.memory_space<vmem_shared>>) target(%arg6 : memref<512xi32, #tpu.memory_space<smem>>) target_semaphore(%run_scoped3A : memref<!tpu.dma_semaphore, #tpu.memory_space<semaphore_mem>>)
      %dma_wait3A = arith.constant 0 : i32
      %dma_wait3A_199 = tpu.memref_slice %arg5[%arg1, %dma_wait3A] : memref<16x512xi32, #tpu.memory_space<vmem_shared>> -> memref<1x512xi32, #tpu.memory_space<vmem_shared>>
      %dma_wait3A_200 = tpu.memref_squeeze %dma_wait3A_199 : memref<1x512xi32, #tpu.memory_space<vmem_shared>> -> memref<512xi32, #tpu.memory_space<vmem_shared>>
      tpu.wait_dma2 semaphore(%run_scoped3A : memref<!tpu.dma_semaphore, #tpu.memory_space<semaphore_mem>>) src(%dma_wait3A_200 : memref<512xi32, #tpu.memory_space<vmem_shared>>) dst(%arg6 : memref<512xi32, #tpu.memory_space<smem>>)
      tpu.yield
    }) : () -> ()
    %get3A = arith.constant 0 : i32
    %get3A_3 = arith.index_cast %get3A : i32 to index
    %get3A_4 = memref.load %arg6[%get3A_3] : memref<512xi32, #tpu.memory_space<smem>>
    %shift_right_arithmetic3A = arith.constant 7 : i32
    %shift_right_arithmetic3A_5 = arith.shrsi %get3A_4, %shift_right_arithmetic3A : i32
    %mul3A_6 = arith.constant 128 : i32
    %mul3A_7 = arith.muli %shift_right_arithmetic3A_5, %mul3A_6 : i32
    %multiple_of3A = tpu.assume_multiple %mul3A_7, 128 : i32
    %dma_start3A = arith.constant 0 : i32
    %dma_start3A_8 = arith.constant 0 : i32
    %dma_start3A_9 = arith.constant 0 : i32
    %dma_start3A_10 = arith.constant 0 : i32
    %dma_start3A_11 = tpu.memref_slice %arg7[%dma_start3A, %dma_start3A_9, %dma_start3A_10] : memref<8x64x128xf32, #tpu.memory_space<vmem>> -> memref<1x64x128xf32, #tpu.memory_space<vmem>>
    %dma_start3A_12 = tpu.memref_squeeze %dma_start3A_11 : memref<1x64x128xf32, #tpu.memory_space<vmem>> -> memref<64x128xf32, #tpu.memory_space<vmem>>
    %dma_start3A_13 = arith.constant 0 : i32
    %dma_start3A_14 = tpu.memref_slice %arg2[%dma_start3A_13, %multiple_of3A] : memref<64x1000000xf32, #tpu.memory_space<hbm>> -> memref<64x128xf32, #tpu.memory_space<hbm>>
    %dma_start3A_15 = tpu.memref_slice %arg9[%dma_start3A_8] : memref<8x!tpu.dma_semaphore, #tpu.memory_space<semaphore_mem>> -> memref<1x!tpu.dma_semaphore, #tpu.memory_space<semaphore_mem>>
    %dma_start3A_16 = tpu.memref_squeeze %dma_start3A_15 : memref<1x!tpu.dma_semaphore, #tpu.memory_space<semaphore_mem>> -> memref<!tpu.dma_semaphore, #tpu.memory_space<semaphore_mem>>
    %dma_start3A_17 = arith.constant 0 : i32
    %dma_start3A_18 = arith.constant 0 : i32
    %dma_start3A_19 = tpu.memref_slice %arg7[%dma_start3A, %dma_start3A_17, %dma_start3A_18] : memref<8x64x128xf32, #tpu.memory_space<vmem>> -> memref<1x64x128xf32, #tpu.memory_space<vmem>>
    %dma_start3A_20 = tpu.memref_squeeze %dma_start3A_19 : memref<1x64x128xf32, #tpu.memory_space<vmem>> -> memref<64x128xf32, #tpu.memory_space<vmem>>
    %dma_start3A_21 = arith.constant 0 : i32
    %dma_start3A_22 = tpu.memref_slice %arg2[%dma_start3A_21, %multiple_of3A] : memref<64x1000000xf32, #tpu.memory_space<hbm>> -> memref<64x128xf32, #tpu.memory_space<hbm>>
    tpu.enqueue_dma source(%dma_start3A_22 : memref<64x128xf32, #tpu.memory_space<hbm>>) target(%dma_start3A_20 : memref<64x128xf32, #tpu.memory_space<vmem>>) target_semaphore(%dma_start3A_16 : memref<!tpu.dma_semaphore, #tpu.memory_space<semaphore_mem>>)
    %get3A_23 = arith.constant 1 : i32
    %get3A_24 = arith.index_cast %get3A_23 : i32 to index
    %get3A_25 = memref.load %arg6[%get3A_24] : memref<512xi32, #tpu.memory_space<smem>>
    %shift_right_arithmetic3A_26 = arith.constant 7 : i32
    %shift_right_arithmetic3A_27 = arith.shrsi %get3A_25, %shift_right_arithmetic3A_26 : i32
    %mul3A_28 = arith.constant 128 : i32
    %mul3A_29 = arith.muli %shift_right_arithmetic3A_27, %mul3A_28 : i32
    %multiple_of3A_30 = tpu.assume_multiple %mul3A_29, 128 : i32
    %dma_start3A_31 = arith.constant 1 : i32
    %dma_start3A_32 = arith.constant 1 : i32
    %dma_start3A_33 = arith.constant 0 : i32
    %dma_start3A_34 = arith.constant 0 : i32
    %dma_start3A_35 = tpu.memref_slice %arg7[%dma_start3A_31, %dma_start3A_33, %dma_start3A_34] : memref<8x64x128xf32, #tpu.memory_space<vmem>> -> memref<1x64x128xf32, #tpu.memory_space<vmem>>
    %dma_start3A_36 = tpu.memref_squeeze %dma_start3A_35 : memref<1x64x128xf32, #tpu.memory_space<vmem>> -> memref<64x128xf32, #tpu.memory_space<vmem>>
    %dma_start3A_37 = arith.constant 0 : i32
    %dma_start3A_38 = tpu.memref_slice %arg2[%dma_start3A_37, %multiple_of3A_30] : memref<64x1000000xf32, #tpu.memory_space<hbm>> -> memref<64x128xf32, #tpu.memory_space<hbm>>
    %dma_start3A_39 = tpu.memref_slice %arg9[%dma_start3A_32] : memref<8x!tpu.dma_semaphore, #tpu.memory_space<semaphore_mem>> -> memref<1x!tpu.dma_semaphore, #tpu.memory_space<semaphore_mem>>
    %dma_start3A_40 = tpu.memref_squeeze %dma_start3A_39 : memref<1x!tpu.dma_semaphore, #tpu.memory_space<semaphore_mem>> -> memref<!tpu.dma_semaphore, #tpu.memory_space<semaphore_mem>>
    %dma_start3A_41 = arith.constant 0 : i32
    %dma_start3A_42 = arith.constant 0 : i32
    %dma_start3A_43 = tpu.memref_slice %arg7[%dma_start3A_31, %dma_start3A_41, %dma_start3A_42] : memref<8x64x128xf32, #tpu.memory_space<vmem>> -> memref<1x64x128xf32, #tpu.memory_space<vmem>>
    %dma_start3A_44 = tpu.memref_squeeze %dma_start3A_43 : memref<1x64x128xf32, #tpu.memory_space<vmem>> -> memref<64x128xf32, #tpu.memory_space<vmem>>
    %dma_start3A_45 = arith.constant 0 : i32
    %dma_start3A_46 = tpu.memref_slice %arg2[%dma_start3A_45, %multiple_of3A_30] : memref<64x1000000xf32, #tpu.memory_space<hbm>> -> memref<64x128xf32, #tpu.memory_space<hbm>>
    tpu.enqueue_dma source(%dma_start3A_46 : memref<64x128xf32, #tpu.memory_space<hbm>>) target(%dma_start3A_44 : memref<64x128xf32, #tpu.memory_space<vmem>>) target_semaphore(%dma_start3A_40 : memref<!tpu.dma_semaphore, #tpu.memory_space<semaphore_mem>>)
    %get3A_47 = arith.constant 2 : i32
    %get3A_48 = arith.index_cast %get3A_47 : i32 to index
    %get3A_49 = memref.load %arg6[%get3A_48] : memref<512xi32, #tpu.memory_space<smem>>
    %shift_right_arithmetic3A_50 = arith.constant 7 : i32
    %shift_right_arithmetic3A_51 = arith.shrsi %get3A_49, %shift_right_arithmetic3A_50 : i32
    %mul3A_52 = arith.constant 128 : i32
    %mul3A_53 = arith.muli %shift_right_arithmetic3A_51, %mul3A_52 : i32
    %multiple_of3A_54 = tpu.assume_multiple %mul3A_53, 128 : i32
    %dma_start3A_55 = arith.constant 2 : i32
    %dma_start3A_56 = arith.constant 2 : i32
    %dma_start3A_57 = arith.constant 0 : i32
    %dma_start3A_58 = arith.constant 0 : i32
    %dma_start3A_59 = tpu.memref_slice %arg7[%dma_start3A_55, %dma_start3A_57, %dma_start3A_58] : memref<8x64x128xf32, #tpu.memory_space<vmem>> -> memref<1x64x128xf32, #tpu.memory_space<vmem>>
    %dma_start3A_60 = tpu.memref_squeeze %dma_start3A_59 : memref<1x64x128xf32, #tpu.memory_space<vmem>> -> memref<64x128xf32, #tpu.memory_space<vmem>>
    %dma_start3A_61 = arith.constant 0 : i32
    %dma_start3A_62 = tpu.memref_slice %arg2[%dma_start3A_61, %multiple_of3A_54] : memref<64x1000000xf32, #tpu.memory_space<hbm>> -> memref<64x128xf32, #tpu.memory_space<hbm>>
    %dma_start3A_63 = tpu.memref_slice %arg9[%dma_start3A_56] : memref<8x!tpu.dma_semaphore, #tpu.memory_space<semaphore_mem>> -> memref<1x!tpu.dma_semaphore, #tpu.memory_space<semaphore_mem>>
    %dma_start3A_64 = tpu.memref_squeeze %dma_start3A_63 : memref<1x!tpu.dma_semaphore, #tpu.memory_space<semaphore_mem>> -> memref<!tpu.dma_semaphore, #tpu.memory_space<semaphore_mem>>
    %dma_start3A_65 = arith.constant 0 : i32
    %dma_start3A_66 = arith.constant 0 : i32
    %dma_start3A_67 = tpu.memref_slice %arg7[%dma_start3A_55, %dma_start3A_65, %dma_start3A_66] : memref<8x64x128xf32, #tpu.memory_space<vmem>> -> memref<1x64x128xf32, #tpu.memory_space<vmem>>
    %dma_start3A_68 = tpu.memref_squeeze %dma_start3A_67 : memref<1x64x128xf32, #tpu.memory_space<vmem>> -> memref<64x128xf32, #tpu.memory_space<vmem>>
    %dma_start3A_69 = arith.constant 0 : i32
    %dma_start3A_70 = tpu.memref_slice %arg2[%dma_start3A_69, %multiple_of3A_54] : memref<64x1000000xf32, #tpu.memory_space<hbm>> -> memref<64x128xf32, #tpu.memory_space<hbm>>
    tpu.enqueue_dma source(%dma_start3A_70 : memref<64x128xf32, #tpu.memory_space<hbm>>) target(%dma_start3A_68 : memref<64x128xf32, #tpu.memory_space<vmem>>) target_semaphore(%dma_start3A_64 : memref<!tpu.dma_semaphore, #tpu.memory_space<semaphore_mem>>)
    %get3A_71 = arith.constant 3 : i32
    %get3A_72 = arith.index_cast %get3A_71 : i32 to index
    %get3A_73 = memref.load %arg6[%get3A_72] : memref<512xi32, #tpu.memory_space<smem>>
    %shift_right_arithmetic3A_74 = arith.constant 7 : i32
    %shift_right_arithmetic3A_75 = arith.shrsi %get3A_73, %shift_right_arithmetic3A_74 : i32
    %mul3A_76 = arith.constant 128 : i32
    %mul3A_77 = arith.muli %shift_right_arithmetic3A_75, %mul3A_76 : i32
    %multiple_of3A_78 = tpu.assume_multiple %mul3A_77, 128 : i32
    %dma_start3A_79 = arith.constant 3 : i32
    %dma_start3A_80 = arith.constant 3 : i32
    %dma_start3A_81 = arith.constant 0 : i32
    %dma_start3A_82 = arith.constant 0 : i32
    %dma_start3A_83 = tpu.memref_slice %arg7[%dma_start3A_79, %dma_start3A_81, %dma_start3A_82] : memref<8x64x128xf32, #tpu.memory_space<vmem>> -> memref<1x64x128xf32, #tpu.memory_space<vmem>>
    %dma_start3A_84 = tpu.memref_squeeze %dma_start3A_83 : memref<1x64x128xf32, #tpu.memory_space<vmem>> -> memref<64x128xf32, #tpu.memory_space<vmem>>
    %dma_start3A_85 = arith.constant 0 : i32
    %dma_start3A_86 = tpu.memref_slice %arg2[%dma_start3A_85, %multiple_of3A_78] : memref<64x1000000xf32, #tpu.memory_space<hbm>> -> memref<64x128xf32, #tpu.memory_space<hbm>>
    %dma_start3A_87 = tpu.memref_slice %arg9[%dma_start3A_80] : memref<8x!tpu.dma_semaphore, #tpu.memory_space<semaphore_mem>> -> memref<1x!tpu.dma_semaphore, #tpu.memory_space<semaphore_mem>>
    %dma_start3A_88 = tpu.memref_squeeze %dma_start3A_87 : memref<1x!tpu.dma_semaphore, #tpu.memory_space<semaphore_mem>> -> memref<!tpu.dma_semaphore, #tpu.memory_space<semaphore_mem>>
    %dma_start3A_89 = arith.constant 0 : i32
    %dma_start3A_90 = arith.constant 0 : i32
    %dma_start3A_91 = tpu.memref_slice %arg7[%dma_start3A_79, %dma_start3A_89, %dma_start3A_90] : memref<8x64x128xf32, #tpu.memory_space<vmem>> -> memref<1x64x128xf32, #tpu.memory_space<vmem>>
    %dma_start3A_92 = tpu.memref_squeeze %dma_start3A_91 : memref<1x64x128xf32, #tpu.memory_space<vmem>> -> memref<64x128xf32, #tpu.memory_space<vmem>>
    %dma_start3A_93 = arith.constant 0 : i32
    %dma_start3A_94 = tpu.memref_slice %arg2[%dma_start3A_93, %multiple_of3A_78] : memref<64x1000000xf32, #tpu.memory_space<hbm>> -> memref<64x128xf32, #tpu.memory_space<hbm>>
    tpu.enqueue_dma source(%dma_start3A_94 : memref<64x128xf32, #tpu.memory_space<hbm>>) target(%dma_start3A_92 : memref<64x128xf32, #tpu.memory_space<vmem>>) target_semaphore(%dma_start3A_88 : memref<!tpu.dma_semaphore, #tpu.memory_space<semaphore_mem>>)
    %get3A_95 = arith.constant 4 : i32
    %get3A_96 = arith.index_cast %get3A_95 : i32 to index
    %get3A_97 = memref.load %arg6[%get3A_96] : memref<512xi32, #tpu.memory_space<smem>>
    %shift_right_arithmetic3A_98 = arith.constant 7 : i32
    %shift_right_arithmetic3A_99 = arith.shrsi %get3A_97, %shift_right_arithmetic3A_98 : i32
    %mul3A_100 = arith.constant 128 : i32
    %mul3A_101 = arith.muli %shift_right_arithmetic3A_99, %mul3A_100 : i32
    %multiple_of3A_102 = tpu.assume_multiple %mul3A_101, 128 : i32
    %dma_start3A_103 = arith.constant 4 : i32
    %dma_start3A_104 = arith.constant 4 : i32
    %dma_start3A_105 = arith.constant 0 : i32
    %dma_start3A_106 = arith.constant 0 : i32
    %dma_start3A_107 = tpu.memref_slice %arg7[%dma_start3A_103, %dma_start3A_105, %dma_start3A_106] : memref<8x64x128xf32, #tpu.memory_space<vmem>> -> memref<1x64x128xf32, #tpu.memory_space<vmem>>
    %dma_start3A_108 = tpu.memref_squeeze %dma_start3A_107 : memref<1x64x128xf32, #tpu.memory_space<vmem>> -> memref<64x128xf32, #tpu.memory_space<vmem>>
    %dma_start3A_109 = arith.constant 0 : i32
    %dma_start3A_110 = tpu.memref_slice %arg2[%dma_start3A_109, %multiple_of3A_102] : memref<64x1000000xf32, #tpu.memory_space<hbm>> -> memref<64x128xf32, #tpu.memory_space<hbm>>
    %dma_start3A_111 = tpu.memref_slice %arg9[%dma_start3A_104] : memref<8x!tpu.dma_semaphore, #tpu.memory_space<semaphore_mem>> -> memref<1x!tpu.dma_semaphore, #tpu.memory_space<semaphore_mem>>
    %dma_start3A_112 = tpu.memref_squeeze %dma_start3A_111 : memref<1x!tpu.dma_semaphore, #tpu.memory_space<semaphore_mem>> -> memref<!tpu.dma_semaphore, #tpu.memory_space<semaphore_mem>>
    %dma_start3A_113 = arith.constant 0 : i32
    %dma_start3A_114 = arith.constant 0 : i32
    %dma_start3A_115 = tpu.memref_slice %arg7[%dma_start3A_103, %dma_start3A_113, %dma_start3A_114] : memref<8x64x128xf32, #tpu.memory_space<vmem>> -> memref<1x64x128xf32, #tpu.memory_space<vmem>>
    %dma_start3A_116 = tpu.memref_squeeze %dma_start3A_115 : memref<1x64x128xf32, #tpu.memory_space<vmem>> -> memref<64x128xf32, #tpu.memory_space<vmem>>
    %dma_start3A_117 = arith.constant 0 : i32
    %dma_start3A_118 = tpu.memref_slice %arg2[%dma_start3A_117, %multiple_of3A_102] : memref<64x1000000xf32, #tpu.memory_space<hbm>> -> memref<64x128xf32, #tpu.memory_space<hbm>>
    tpu.enqueue_dma source(%dma_start3A_118 : memref<64x128xf32, #tpu.memory_space<hbm>>) target(%dma_start3A_116 : memref<64x128xf32, #tpu.memory_space<vmem>>) target_semaphore(%dma_start3A_112 : memref<!tpu.dma_semaphore, #tpu.memory_space<semaphore_mem>>)
    %get3A_119 = arith.constant 5 : i32
    %get3A_120 = arith.index_cast %get3A_119 : i32 to index
    %get3A_121 = memref.load %arg6[%get3A_120] : memref<512xi32, #tpu.memory_space<smem>>
    %shift_right_arithmetic3A_122 = arith.constant 7 : i32
    %shift_right_arithmetic3A_123 = arith.shrsi %get3A_121, %shift_right_arithmetic3A_122 : i32
    %mul3A_124 = arith.constant 128 : i32
    %mul3A_125 = arith.muli %shift_right_arithmetic3A_123, %mul3A_124 : i32
    %multiple_of3A_126 = tpu.assume_multiple %mul3A_125, 128 : i32
    %dma_start3A_127 = arith.constant 5 : i32
    %dma_start3A_128 = arith.constant 5 : i32
    %dma_start3A_129 = arith.constant 0 : i32
    %dma_start3A_130 = arith.constant 0 : i32
    %dma_start3A_131 = tpu.memref_slice %arg7[%dma_start3A_127, %dma_start3A_129, %dma_start3A_130] : memref<8x64x128xf32, #tpu.memory_space<vmem>> -> memref<1x64x128xf32, #tpu.memory_space<vmem>>
    %dma_start3A_132 = tpu.memref_squeeze %dma_start3A_131 : memref<1x64x128xf32, #tpu.memory_space<vmem>> -> memref<64x128xf32, #tpu.memory_space<vmem>>
    %dma_start3A_133 = arith.constant 0 : i32
    %dma_start3A_134 = tpu.memref_slice %arg2[%dma_start3A_133, %multiple_of3A_126] : memref<64x1000000xf32, #tpu.memory_space<hbm>> -> memref<64x128xf32, #tpu.memory_space<hbm>>
    %dma_start3A_135 = tpu.memref_slice %arg9[%dma_start3A_128] : memref<8x!tpu.dma_semaphore, #tpu.memory_space<semaphore_mem>> -> memref<1x!tpu.dma_semaphore, #tpu.memory_space<semaphore_mem>>
    %dma_start3A_136 = tpu.memref_squeeze %dma_start3A_135 : memref<1x!tpu.dma_semaphore, #tpu.memory_space<semaphore_mem>> -> memref<!tpu.dma_semaphore, #tpu.memory_space<semaphore_mem>>
    %dma_start3A_137 = arith.constant 0 : i32
    %dma_start3A_138 = arith.constant 0 : i32
    %dma_start3A_139 = tpu.memref_slice %arg7[%dma_start3A_127, %dma_start3A_137, %dma_start3A_138] : memref<8x64x128xf32, #tpu.memory_space<vmem>> -> memref<1x64x128xf32, #tpu.memory_space<vmem>>
    %dma_start3A_140 = tpu.memref_squeeze %dma_start3A_139 : memref<1x64x128xf32, #tpu.memory_space<vmem>> -> memref<64x128xf32, #tpu.memory_space<vmem>>
    %dma_start3A_141 = arith.constant 0 : i32
    %dma_start3A_142 = tpu.memref_slice %arg2[%dma_start3A_141, %multiple_of3A_126] : memref<64x1000000xf32, #tpu.memory_space<hbm>> -> memref<64x128xf32, #tpu.memory_space<hbm>>
    tpu.enqueue_dma source(%dma_start3A_142 : memref<64x128xf32, #tpu.memory_space<hbm>>) target(%dma_start3A_140 : memref<64x128xf32, #tpu.memory_space<vmem>>) target_semaphore(%dma_start3A_136 : memref<!tpu.dma_semaphore, #tpu.memory_space<semaphore_mem>>)
    %get3A_143 = arith.constant 6 : i32
    %get3A_144 = arith.index_cast %get3A_143 : i32 to index
    %get3A_145 = memref.load %arg6[%get3A_144] : memref<512xi32, #tpu.memory_space<smem>>
    %shift_right_arithmetic3A_146 = arith.constant 7 : i32
    %shift_right_arithmetic3A_147 = arith.shrsi %get3A_145, %shift_right_arithmetic3A_146 : i32
    %mul3A_148 = arith.constant 128 : i32
    %mul3A_149 = arith.muli %shift_right_arithmetic3A_147, %mul3A_148 : i32
    %multiple_of3A_150 = tpu.assume_multiple %mul3A_149, 128 : i32
    %dma_start3A_151 = arith.constant 6 : i32
    %dma_start3A_152 = arith.constant 6 : i32
    %dma_start3A_153 = arith.constant 0 : i32
    %dma_start3A_154 = arith.constant 0 : i32
    %dma_start3A_155 = tpu.memref_slice %arg7[%dma_start3A_151, %dma_start3A_153, %dma_start3A_154] : memref<8x64x128xf32, #tpu.memory_space<vmem>> -> memref<1x64x128xf32, #tpu.memory_space<vmem>>
    %dma_start3A_156 = tpu.memref_squeeze %dma_start3A_155 : memref<1x64x128xf32, #tpu.memory_space<vmem>> -> memref<64x128xf32, #tpu.memory_space<vmem>>
    %dma_start3A_157 = arith.constant 0 : i32
    %dma_start3A_158 = tpu.memref_slice %arg2[%dma_start3A_157, %multiple_of3A_150] : memref<64x1000000xf32, #tpu.memory_space<hbm>> -> memref<64x128xf32, #tpu.memory_space<hbm>>
    %dma_start3A_159 = tpu.memref_slice %arg9[%dma_start3A_152] : memref<8x!tpu.dma_semaphore, #tpu.memory_space<semaphore_mem>> -> memref<1x!tpu.dma_semaphore, #tpu.memory_space<semaphore_mem>>
    %dma_start3A_160 = tpu.memref_squeeze %dma_start3A_159 : memref<1x!tpu.dma_semaphore, #tpu.memory_space<semaphore_mem>> -> memref<!tpu.dma_semaphore, #tpu.memory_space<semaphore_mem>>
    %dma_start3A_161 = arith.constant 0 : i32
    %dma_start3A_162 = arith.constant 0 : i32
    %dma_start3A_163 = tpu.memref_slice %arg7[%dma_start3A_151, %dma_start3A_161, %dma_start3A_162] : memref<8x64x128xf32, #tpu.memory_space<vmem>> -> memref<1x64x128xf32, #tpu.memory_space<vmem>>
    %dma_start3A_164 = tpu.memref_squeeze %dma_start3A_163 : memref<1x64x128xf32, #tpu.memory_space<vmem>> -> memref<64x128xf32, #tpu.memory_space<vmem>>
    %dma_start3A_165 = arith.constant 0 : i32
    %dma_start3A_166 = tpu.memref_slice %arg2[%dma_start3A_165, %multiple_of3A_150] : memref<64x1000000xf32, #tpu.memory_space<hbm>> -> memref<64x128xf32, #tpu.memory_space<hbm>>
    tpu.enqueue_dma source(%dma_start3A_166 : memref<64x128xf32, #tpu.memory_space<hbm>>) target(%dma_start3A_164 : memref<64x128xf32, #tpu.memory_space<vmem>>) target_semaphore(%dma_start3A_160 : memref<!tpu.dma_semaphore, #tpu.memory_space<semaphore_mem>>)
    %get3A_167 = arith.constant 7 : i32
    %get3A_168 = arith.index_cast %get3A_167 : i32 to index
    %get3A_169 = memref.load %arg6[%get3A_168] : memref<512xi32, #tpu.memory_space<smem>>
    %shift_right_arithmetic3A_170 = arith.constant 7 : i32
    %shift_right_arithmetic3A_171 = arith.shrsi %get3A_169, %shift_right_arithmetic3A_170 : i32
    %mul3A_172 = arith.constant 128 : i32
    %mul3A_173 = arith.muli %shift_right_arithmetic3A_171, %mul3A_172 : i32
    %multiple_of3A_174 = tpu.assume_multiple %mul3A_173, 128 : i32
    %dma_start3A_175 = arith.constant 7 : i32
    %dma_start3A_176 = arith.constant 7 : i32
    %dma_start3A_177 = arith.constant 0 : i32
    %dma_start3A_178 = arith.constant 0 : i32
    %dma_start3A_179 = tpu.memref_slice %arg7[%dma_start3A_175, %dma_start3A_177, %dma_start3A_178] : memref<8x64x128xf32, #tpu.memory_space<vmem>> -> memref<1x64x128xf32, #tpu.memory_space<vmem>>
    %dma_start3A_180 = tpu.memref_squeeze %dma_start3A_179 : memref<1x64x128xf32, #tpu.memory_space<vmem>> -> memref<64x128xf32, #tpu.memory_space<vmem>>
    %dma_start3A_181 = arith.constant 0 : i32
    %dma_start3A_182 = tpu.memref_slice %arg2[%dma_start3A_181, %multiple_of3A_174] : memref<64x1000000xf32, #tpu.memory_space<hbm>> -> memref<64x128xf32, #tpu.memory_space<hbm>>
    %dma_start3A_183 = tpu.memref_slice %arg9[%dma_start3A_176] : memref<8x!tpu.dma_semaphore, #tpu.memory_space<semaphore_mem>> -> memref<1x!tpu.dma_semaphore, #tpu.memory_space<semaphore_mem>>
    %dma_start3A_184 = tpu.memref_squeeze %dma_start3A_183 : memref<1x!tpu.dma_semaphore, #tpu.memory_space<semaphore_mem>> -> memref<!tpu.dma_semaphore, #tpu.memory_space<semaphore_mem>>
    %dma_start3A_185 = arith.constant 0 : i32
    %dma_start3A_186 = arith.constant 0 : i32
    %dma_start3A_187 = tpu.memref_slice %arg7[%dma_start3A_175, %dma_start3A_185, %dma_start3A_186] : memref<8x64x128xf32, #tpu.memory_space<vmem>> -> memref<1x64x128xf32, #tpu.memory_space<vmem>>
    %dma_start3A_188 = tpu.memref_squeeze %dma_start3A_187 : memref<1x64x128xf32, #tpu.memory_space<vmem>> -> memref<64x128xf32, #tpu.memory_space<vmem>>
    %dma_start3A_189 = arith.constant 0 : i32
    %dma_start3A_190 = tpu.memref_slice %arg2[%dma_start3A_189, %multiple_of3A_174] : memref<64x1000000xf32, #tpu.memory_space<hbm>> -> memref<64x128xf32, #tpu.memory_space<hbm>>
    tpu.enqueue_dma source(%dma_start3A_190 : memref<64x128xf32, #tpu.memory_space<hbm>>) target(%dma_start3A_188 : memref<64x128xf32, #tpu.memory_space<vmem>>) target_semaphore(%dma_start3A_184 : memref<!tpu.dma_semaphore, #tpu.memory_space<semaphore_mem>>)
    %iota3A = tpu.iota {dimensions = array<i32: 0>} : vector<16xi32>
    %scan3A = arith.constant 0 : i32
    %scan3A_191 = arith.constant 0 : i32
    %scan3A_192 = arith.constant 64 : i32
    %scan3A_193 = arith.addi %scan3A_191, %scan3A_192 : i32
    %scan3A_194 = arith.constant 1 : i32
    scf.for %scan3A_196 = %scan3A_191 to %scan3A_193 step %scan3A_194  : i32 {
      %mul3A_197 = arith.constant 8 : i32
      %mul3A_198 = arith.muli %scan3A_196, %mul3A_197 : i32
      %add3A_199 = arith.constant 0 : i32
      %add3A_200 = arith.addi %mul3A_198, %add3A_199 : i32
      %dma_wait3A = arith.constant 0 : i32
      %dma_wait3A_201 = arith.constant 0 : i32
      %dma_wait3A_202 = arith.constant 0 : i32
      %dma_wait3A_203 = arith.constant 0 : i32
      %dma_wait3A_204 = tpu.memref_slice %arg7[%dma_wait3A, %dma_wait3A_202, %dma_wait3A_203] : memref<8x64x128xf32, #tpu.memory_space<vmem>> -> memref<1x64x128xf32, #tpu.memory_space<vmem>>
      %dma_wait3A_205 = tpu.memref_squeeze %dma_wait3A_204 : memref<1x64x128xf32, #tpu.memory_space<vmem>> -> memref<64x128xf32, #tpu.memory_space<vmem>>
      %dma_wait3A_206 = arith.constant 0 : i32
      %dma_wait3A_207 = arith.constant 0 : i32
      %dma_wait3A_208 = tpu.memref_slice %arg2[%dma_wait3A_206, %dma_wait3A_207] : memref<64x1000000xf32, #tpu.memory_space<hbm>> -> memref<64x128xf32, #tpu.memory_space<hbm>>
      %dma_wait3A_209 = tpu.memref_slice %arg9[%dma_wait3A_201] : memref<8x!tpu.dma_semaphore, #tpu.memory_space<semaphore_mem>> -> memref<1x!tpu.dma_semaphore, #tpu.memory_space<semaphore_mem>>
      %dma_wait3A_210 = tpu.memref_squeeze %dma_wait3A_209 : memref<1x!tpu.dma_semaphore, #tpu.memory_space<semaphore_mem>> -> memref<!tpu.dma_semaphore, #tpu.memory_space<semaphore_mem>>
      %dma_wait3A_211 = arith.constant 0 : i32
      %dma_wait3A_212 = arith.constant 0 : i32
      %dma_wait3A_213 = tpu.memref_slice %arg7[%dma_wait3A, %dma_wait3A_211, %dma_wait3A_212] : memref<8x64x128xf32, #tpu.memory_space<vmem>> -> memref<1x64x128xf32, #tpu.memory_space<vmem>>
      %dma_wait3A_214 = tpu.memref_squeeze %dma_wait3A_213 : memref<1x64x128xf32, #tpu.memory_space<vmem>> -> memref<64x128xf32, #tpu.memory_space<vmem>>
      %dma_wait3A_215 = arith.constant 0 : i32
      %dma_wait3A_216 = arith.constant 0 : i32
      %dma_wait3A_217 = tpu.memref_slice %arg2[%dma_wait3A_215, %dma_wait3A_216] : memref<64x1000000xf32, #tpu.memory_space<hbm>> -> memref<64x128xf32, #tpu.memory_space<hbm>>
      tpu.wait_dma2 semaphore(%dma_wait3A_210 : memref<!tpu.dma_semaphore, #tpu.memory_space<semaphore_mem>>) src(%dma_wait3A_217 : memref<64x128xf32, #tpu.memory_space<hbm>>) dst(%dma_wait3A_214 : memref<64x128xf32, #tpu.memory_space<vmem>>)
      %get3A_218 = arith.index_cast %add3A_200 : i32 to index
      %get3A_219 = memref.load %arg6[%get3A_218] : memref<512xi32, #tpu.memory_space<smem>>
      %and3A = arith.constant 127 : i32
      %and3A_220 = arith.andi %get3A_219, %and3A : i32
      %jit3A = arith.constant 128 : i32
      %eq3A = arith.constant 0 : i32
      %eq3A_221 = arith.cmpi eq, %jit3A, %eq3A : i32
      %jit3A_222 = arith.constant 1 : i32
      %select_n3A = arith.select %eq3A_221, %jit3A_222, %jit3A : i32
      %rem3A = arith.remsi %add3A_200, %select_n3A : i32
      %ne3A = arith.constant 0 : i32
      %ne3A_223 = arith.cmpi ne, %rem3A, %ne3A : i32
      %lt3A = arith.constant 0 : i32
      %lt3A_224 = arith.cmpi slt, %rem3A, %lt3A : i32
      %lt3A_225 = arith.constant 0 : i32
      %lt3A_226 = arith.cmpi slt, %select_n3A, %lt3A_225 : i32
      %ne3A_227 = arith.xori %lt3A_224, %lt3A_226 : i1
      %and3A_228 = arith.andi %ne3A_227, %ne3A_223 : i1
      %add3A_229 = arith.addi %rem3A, %select_n3A : i32
      %select_n3A_230 = arith.select %and3A_228, %add3A_229, %rem3A : i32
      %broadcast_in_dim3A = arith.constant 0 : i32
      %broadcast_in_dim3A_231 = vector.broadcast %broadcast_in_dim3A : i32 to vector<16xi32>
      %add3A_232 = vector.broadcast %and3A_220 : i32 to vector<16xi32>
      %add3A_233 = arith.addi %broadcast_in_dim3A_231, %add3A_232 : vector<16xi32>
      %broadcast_in_dim3A_234 = arith.constant 0 : i32
      %broadcast_in_dim3A_235 = vector.broadcast %broadcast_in_dim3A_234 : i32 to vector<16xi32>
      %add3A_236 = vector.broadcast %select_n3A_230 : i32 to vector<16xi32>
      %add3A_237 = arith.addi %broadcast_in_dim3A_235, %add3A_236 : vector<16xi32>
      %add3A_238 = arith.constant 0 : i32
      %add3A_239 = vector.broadcast %add3A_238 : i32 to vector<16xi32>
      %add3A_240 = arith.addi %iota3A, %add3A_239 : vector<16xi32>
      %gather3A = arith.constant 0 : i32
      %gather3A_241 = arith.constant 0 : i32
      %gather3A_242 = arith.constant 0 : i32
      %gather3A_243 = tpu.memref_slice %arg7[%gather3A, %gather3A_241, %gather3A_242] : memref<8x64x128xf32, #tpu.memory_space<vmem>> -> memref<1x64x128xf32, #tpu.memory_space<vmem>>
      %gather3A_244 = tpu.memref_squeeze %gather3A_243 : memref<1x64x128xf32, #tpu.memory_space<vmem>> -> memref<64x128xf32, #tpu.memory_space<vmem>>
      %gather3A_245 = tpu.vector_load_idx %gather3A_244[%add3A_240, %add3A_233] : memref<64x128xf32, #tpu.memory_space<vmem>>[vector<16xi32>, vector<16xi32>], vector<16xf32>,
      tpu.vector_store_idx %arg8[%add3A_240, %add3A_237], %gather3A_245 : memref<64x128xf32, #tpu.memory_space<vmem>>[vector<16xi32>, vector<16xi32>], vector<16xf32>,
      %add3A_246 = arith.constant 16 : i32
      %add3A_247 = vector.broadcast %add3A_246 : i32 to vector<16xi32>
      %add3A_248 = arith.addi %iota3A, %add3A_247 : vector<16xi32>
      %gather3A_249 = arith.constant 0 : i32
      %gather3A_250 = arith.constant 0 : i32
      %gather3A_251 = arith.constant 0 : i32
      %gather3A_252 = tpu.memref_slice %arg7[%gather3A_249, %gather3A_250, %gather3A_251] : memref<8x64x128xf32, #tpu.memory_space<vmem>> -> memref<1x64x128xf32, #tpu.memory_space<vmem>>
      %gather3A_253 = tpu.memref_squeeze %gather3A_252 : memref<1x64x128xf32, #tpu.memory_space<vmem>> -> memref<64x128xf32, #tpu.memory_space<vmem>>
      %gather3A_254 = tpu.vector_load_idx %gather3A_253[%add3A_248, %add3A_233] : memref<64x128xf32, #tpu.memory_space<vmem>>[vector<16xi32>, vector<16xi32>], vector<16xf32>,
      tpu.vector_store_idx %arg8[%add3A_248, %add3A_237], %gather3A_254 : memref<64x128xf32, #tpu.memory_space<vmem>>[vector<16xi32>, vector<16xi32>], vector<16xf32>,
      %add3A_255 = arith.constant 32 : i32
      %add3A_256 = vector.broadcast %add3A_255 : i32 to vector<16xi32>
      %add3A_257 = arith.addi %iota3A, %add3A_256 : vector<16xi32>
      %gather3A_258 = arith.constant 0 : i32
      %gather3A_259 = arith.constant 0 : i32
      %gather3A_260 = arith.constant 0 : i32
      %gather3A_261 = tpu.memref_slice %arg7[%gather3A_258, %gather3A_259, %gather3A_260] : memref<8x64x128xf32, #tpu.memory_space<vmem>> -> memref<1x64x128xf32, #tpu.memory_space<vmem>>
      %gather3A_262 = tpu.memref_squeeze %gather3A_261 : memref<1x64x128xf32, #tpu.memory_space<vmem>> -> memref<64x128xf32, #tpu.memory_space<vmem>>
      %gather3A_263 = tpu.vector_load_idx %gather3A_262[%add3A_257, %add3A_233] : memref<64x128xf32, #tpu.memory_space<vmem>>[vector<16xi32>, vector<16xi32>], vector<16xf32>,
      tpu.vector_store_idx %arg8[%add3A_257, %add3A_237], %gather3A_263 : memref<64x128xf32, #tpu.memory_space<vmem>>[vector<16xi32>, vector<16xi32>], vector<16xf32>,
      %add3A_264 = arith.constant 48 : i32
      %add3A_265 = vector.broadcast %add3A_264 : i32 to vector<16xi32>
      %add3A_266 = arith.addi %iota3A, %add3A_265 : vector<16xi32>
      %gather3A_267 = arith.constant 0 : i32
      %gather3A_268 = arith.constant 0 : i32
      %gather3A_269 = arith.constant 0 : i32
      %gather3A_270 = tpu.memref_slice %arg7[%gather3A_267, %gather3A_268, %gather3A_269] : memref<8x64x128xf32, #tpu.memory_space<vmem>> -> memref<1x64x128xf32, #tpu.memory_space<vmem>>
      %gather3A_271 = tpu.memref_squeeze %gather3A_270 : memref<1x64x128xf32, #tpu.memory_space<vmem>> -> memref<64x128xf32, #tpu.memory_space<vmem>>
      %gather3A_272 = tpu.vector_load_idx %gather3A_271[%add3A_266, %add3A_233] : memref<64x128xf32, #tpu.memory_space<vmem>>[vector<16xi32>, vector<16xi32>], vector<16xf32>,
      tpu.vector_store_idx %arg8[%add3A_266, %add3A_237], %gather3A_272 : memref<64x128xf32, #tpu.memory_space<vmem>>[vector<16xi32>, vector<16xi32>], vector<16xf32>,
      %lt3A_273 = arith.constant 63 : i32
      %lt3A_274 = arith.cmpi slt, %scan3A_196, %lt3A_273 : i32
      %convert_element_type3A = arith.extui %lt3A_274 : i1 to i32
      %cond3A = arith.constant 0 : i32
      %cond3A_275 = arith.cmpi ne, %convert_element_type3A, %cond3A : i32
      scf.if %cond3A_275 {
        %add3A_936 = arith.constant 8 : i32
        %add3A_937 = arith.addi %add3A_200, %add3A_936 : i32
        %get3A_938 = arith.index_cast %add3A_937 : i32 to index
        %get3A_939 = memref.load %arg6[%get3A_938] : memref<512xi32, #tpu.memory_space<smem>>
        %shift_right_arithmetic3A_940 = arith.constant 7 : i32
        %shift_right_arithmetic3A_941 = arith.shrsi %get3A_939, %shift_right_arithmetic3A_940 : i32
        %mul3A_942 = arith.constant 128 : i32
        %mul3A_943 = arith.muli %shift_right_arithmetic3A_941, %mul3A_942 : i32
        %multiple_of3A_944 = tpu.assume_multiple %mul3A_943, 128 : i32
        %dma_start3A_945 = arith.constant 0 : i32
        %dma_start3A_946 = arith.constant 0 : i32
        %dma_start3A_947 = arith.constant 0 : i32
        %dma_start3A_948 = arith.constant 0 : i32
        %dma_start3A_949 = tpu.memref_slice %arg7[%dma_start3A_945, %dma_start3A_947, %dma_start3A_948] : memref<8x64x128xf32, #tpu.memory_space<vmem>> -> memref<1x64x128xf32, #tpu.memory_space<vmem>>
        %dma_start3A_950 = tpu.memref_squeeze %dma_start3A_949 : memref<1x64x128xf32, #tpu.memory_space<vmem>> -> memref<64x128xf32, #tpu.memory_space<vmem>>
        %dma_start3A_951 = arith.constant 0 : i32
        %dma_start3A_952 = tpu.memref_slice %arg2[%dma_start3A_951, %multiple_of3A_944] : memref<64x1000000xf32, #tpu.memory_space<hbm>> -> memref<64x128xf32, #tpu.memory_space<hbm>>
        %dma_start3A_953 = tpu.memref_slice %arg9[%dma_start3A_946] : memref<8x!tpu.dma_semaphore, #tpu.memory_space<semaphore_mem>> -> memref<1x!tpu.dma_semaphore, #tpu.memory_space<semaphore_mem>>
        %dma_start3A_954 = tpu.memref_squeeze %dma_start3A_953 : memref<1x!tpu.dma_semaphore, #tpu.memory_space<semaphore_mem>> -> memref<!tpu.dma_semaphore, #tpu.memory_space<semaphore_mem>>
        %dma_start3A_955 = arith.constant 0 : i32
        %dma_start3A_956 = arith.constant 0 : i32
        %dma_start3A_957 = tpu.memref_slice %arg7[%dma_start3A_945, %dma_start3A_955, %dma_start3A_956] : memref<8x64x128xf32, #tpu.memory_space<vmem>> -> memref<1x64x128xf32, #tpu.memory_space<vmem>>
        %dma_start3A_958 = tpu.memref_squeeze %dma_start3A_957 : memref<1x64x128xf32, #tpu.memory_space<vmem>> -> memref<64x128xf32, #tpu.memory_space<vmem>>
        %dma_start3A_959 = arith.constant 0 : i32
        %dma_start3A_960 = tpu.memref_slice %arg2[%dma_start3A_959, %multiple_of3A_944] : memref<64x1000000xf32, #tpu.memory_space<hbm>> -> memref<64x128xf32, #tpu.memory_space<hbm>>
        tpu.enqueue_dma source(%dma_start3A_960 : memref<64x128xf32, #tpu.memory_space<hbm>>) target(%dma_start3A_958 : memref<64x128xf32, #tpu.memory_space<vmem>>) target_semaphore(%dma_start3A_954 : memref<!tpu.dma_semaphore, #tpu.memory_space<semaphore_mem>>)
      } else {
      }
      %mul3A_276 = arith.constant 8 : i32
      %mul3A_277 = arith.muli %scan3A_196, %mul3A_276 : i32
      %add3A_278 = arith.constant 1 : i32
      %add3A_279 = arith.addi %mul3A_277, %add3A_278 : i32
      %dma_wait3A_280 = arith.constant 1 : i32
      %dma_wait3A_281 = arith.constant 1 : i32
      %dma_wait3A_282 = arith.constant 0 : i32
      %dma_wait3A_283 = arith.constant 0 : i32
      %dma_wait3A_284 = tpu.memref_slice %arg7[%dma_wait3A_280, %dma_wait3A_282, %dma_wait3A_283] : memref<8x64x128xf32, #tpu.memory_space<vmem>> -> memref<1x64x128xf32, #tpu.memory_space<vmem>>
      %dma_wait3A_285 = tpu.memref_squeeze %dma_wait3A_284 : memref<1x64x128xf32, #tpu.memory_space<vmem>> -> memref<64x128xf32, #tpu.memory_space<vmem>>
      %dma_wait3A_286 = arith.constant 0 : i32
      %dma_wait3A_287 = arith.constant 0 : i32
      %dma_wait3A_288 = tpu.memref_slice %arg2[%dma_wait3A_286, %dma_wait3A_287] : memref<64x1000000xf32, #tpu.memory_space<hbm>> -> memref<64x128xf32, #tpu.memory_space<hbm>>
      %dma_wait3A_289 = tpu.memref_slice %arg9[%dma_wait3A_281] : memref<8x!tpu.dma_semaphore, #tpu.memory_space<semaphore_mem>> -> memref<1x!tpu.dma_semaphore, #tpu.memory_space<semaphore_mem>>
      %dma_wait3A_290 = tpu.memref_squeeze %dma_wait3A_289 : memref<1x!tpu.dma_semaphore, #tpu.memory_space<semaphore_mem>> -> memref<!tpu.dma_semaphore, #tpu.memory_space<semaphore_mem>>
      %dma_wait3A_291 = arith.constant 0 : i32
      %dma_wait3A_292 = arith.constant 0 : i32
      %dma_wait3A_293 = tpu.memref_slice %arg7[%dma_wait3A_280, %dma_wait3A_291, %dma_wait3A_292] : memref<8x64x128xf32, #tpu.memory_space<vmem>> -> memref<1x64x128xf32, #tpu.memory_space<vmem>>
      %dma_wait3A_294 = tpu.memref_squeeze %dma_wait3A_293 : memref<1x64x128xf32, #tpu.memory_space<vmem>> -> memref<64x128xf32, #tpu.memory_space<vmem>>
      %dma_wait3A_295 = arith.constant 0 : i32
      %dma_wait3A_296 = arith.constant 0 : i32
      %dma_wait3A_297 = tpu.memref_slice %arg2[%dma_wait3A_295, %dma_wait3A_296] : memref<64x1000000xf32, #tpu.memory_space<hbm>> -> memref<64x128xf32, #tpu.memory_space<hbm>>
      tpu.wait_dma2 semaphore(%dma_wait3A_290 : memref<!tpu.dma_semaphore, #tpu.memory_space<semaphore_mem>>) src(%dma_wait3A_297 : memref<64x128xf32, #tpu.memory_space<hbm>>) dst(%dma_wait3A_294 : memref<64x128xf32, #tpu.memory_space<vmem>>)
      %get3A_298 = arith.index_cast %add3A_279 : i32 to index
      %get3A_299 = memref.load %arg6[%get3A_298] : memref<512xi32, #tpu.memory_space<smem>>
      %and3A_300 = arith.constant 127 : i32
      %and3A_301 = arith.andi %get3A_299, %and3A_300 : i32
      %jit3A_302 = arith.constant 128 : i32
      %eq3A_303 = arith.constant 0 : i32
      %eq3A_304 = arith.cmpi eq, %jit3A_302, %eq3A_303 : i32
      %jit3A_305 = arith.constant 1 : i32
      %select_n3A_306 = arith.select %eq3A_304, %jit3A_305, %jit3A_302 : i32
      %rem3A_307 = arith.remsi %add3A_279, %select_n3A_306 : i32
      %ne3A_308 = arith.constant 0 : i32
      %ne3A_309 = arith.cmpi ne, %rem3A_307, %ne3A_308 : i32
      %lt3A_310 = arith.constant 0 : i32
      %lt3A_311 = arith.cmpi slt, %rem3A_307, %lt3A_310 : i32
      %lt3A_312 = arith.constant 0 : i32
      %lt3A_313 = arith.cmpi slt, %select_n3A_306, %lt3A_312 : i32
      %ne3A_314 = arith.xori %lt3A_311, %lt3A_313 : i1
      %and3A_315 = arith.andi %ne3A_314, %ne3A_309 : i1
      %add3A_316 = arith.addi %rem3A_307, %select_n3A_306 : i32
      %select_n3A_317 = arith.select %and3A_315, %add3A_316, %rem3A_307 : i32
      %broadcast_in_dim3A_318 = arith.constant 0 : i32
      %broadcast_in_dim3A_319 = vector.broadcast %broadcast_in_dim3A_318 : i32 to vector<16xi32>
      %add3A_320 = vector.broadcast %and3A_301 : i32 to vector<16xi32>
      %add3A_321 = arith.addi %broadcast_in_dim3A_319, %add3A_320 : vector<16xi32>
      %broadcast_in_dim3A_322 = arith.constant 0 : i32
      %broadcast_in_dim3A_323 = vector.broadcast %broadcast_in_dim3A_322 : i32 to vector<16xi32>
      %add3A_324 = vector.broadcast %select_n3A_317 : i32 to vector<16xi32>
      %add3A_325 = arith.addi %broadcast_in_dim3A_323, %add3A_324 : vector<16xi32>
      %add3A_326 = arith.constant 0 : i32
      %add3A_327 = vector.broadcast %add3A_326 : i32 to vector<16xi32>
      %add3A_328 = arith.addi %iota3A, %add3A_327 : vector<16xi32>
      %gather3A_329 = arith.constant 1 : i32
      %gather3A_330 = arith.constant 0 : i32
      %gather3A_331 = arith.constant 0 : i32
      %gather3A_332 = tpu.memref_slice %arg7[%gather3A_329, %gather3A_330, %gather3A_331] : memref<8x64x128xf32, #tpu.memory_space<vmem>> -> memref<1x64x128xf32, #tpu.memory_space<vmem>>
      %gather3A_333 = tpu.memref_squeeze %gather3A_332 : memref<1x64x128xf32, #tpu.memory_space<vmem>> -> memref<64x128xf32, #tpu.memory_space<vmem>>
      %gather3A_334 = tpu.vector_load_idx %gather3A_333[%add3A_328, %add3A_321] : memref<64x128xf32, #tpu.memory_space<vmem>>[vector<16xi32>, vector<16xi32>], vector<16xf32>,
      tpu.vector_store_idx %arg8[%add3A_328, %add3A_325], %gather3A_334 : memref<64x128xf32, #tpu.memory_space<vmem>>[vector<16xi32>, vector<16xi32>], vector<16xf32>,
      %add3A_335 = arith.constant 16 : i32
      %add3A_336 = vector.broadcast %add3A_335 : i32 to vector<16xi32>
      %add3A_337 = arith.addi %iota3A, %add3A_336 : vector<16xi32>
      %gather3A_338 = arith.constant 1 : i32
      %gather3A_339 = arith.constant 0 : i32
      %gather3A_340 = arith.constant 0 : i32
      %gather3A_341 = tpu.memref_slice %arg7[%gather3A_338, %gather3A_339, %gather3A_340] : memref<8x64x128xf32, #tpu.memory_space<vmem>> -> memref<1x64x128xf32, #tpu.memory_space<vmem>>
      %gather3A_342 = tpu.memref_squeeze %gather3A_341 : memref<1x64x128xf32, #tpu.memory_space<vmem>> -> memref<64x128xf32, #tpu.memory_space<vmem>>
      %gather3A_343 = tpu.vector_load_idx %gather3A_342[%add3A_337, %add3A_321] : memref<64x128xf32, #tpu.memory_space<vmem>>[vector<16xi32>, vector<16xi32>], vector<16xf32>,
      tpu.vector_store_idx %arg8[%add3A_337, %add3A_325], %gather3A_343 : memref<64x128xf32, #tpu.memory_space<vmem>>[vector<16xi32>, vector<16xi32>], vector<16xf32>,
      %add3A_344 = arith.constant 32 : i32
      %add3A_345 = vector.broadcast %add3A_344 : i32 to vector<16xi32>
      %add3A_346 = arith.addi %iota3A, %add3A_345 : vector<16xi32>
      %gather3A_347 = arith.constant 1 : i32
      %gather3A_348 = arith.constant 0 : i32
      %gather3A_349 = arith.constant 0 : i32
      %gather3A_350 = tpu.memref_slice %arg7[%gather3A_347, %gather3A_348, %gather3A_349] : memref<8x64x128xf32, #tpu.memory_space<vmem>> -> memref<1x64x128xf32, #tpu.memory_space<vmem>>
      %gather3A_351 = tpu.memref_squeeze %gather3A_350 : memref<1x64x128xf32, #tpu.memory_space<vmem>> -> memref<64x128xf32, #tpu.memory_space<vmem>>
      %gather3A_352 = tpu.vector_load_idx %gather3A_351[%add3A_346, %add3A_321] : memref<64x128xf32, #tpu.memory_space<vmem>>[vector<16xi32>, vector<16xi32>], vector<16xf32>,
      tpu.vector_store_idx %arg8[%add3A_346, %add3A_325], %gather3A_352 : memref<64x128xf32, #tpu.memory_space<vmem>>[vector<16xi32>, vector<16xi32>], vector<16xf32>,
      %add3A_353 = arith.constant 48 : i32
      %add3A_354 = vector.broadcast %add3A_353 : i32 to vector<16xi32>
      %add3A_355 = arith.addi %iota3A, %add3A_354 : vector<16xi32>
      %gather3A_356 = arith.constant 1 : i32
      %gather3A_357 = arith.constant 0 : i32
      %gather3A_358 = arith.constant 0 : i32
      %gather3A_359 = tpu.memref_slice %arg7[%gather3A_356, %gather3A_357, %gather3A_358] : memref<8x64x128xf32, #tpu.memory_space<vmem>> -> memref<1x64x128xf32, #tpu.memory_space<vmem>>
      %gather3A_360 = tpu.memref_squeeze %gather3A_359 : memref<1x64x128xf32, #tpu.memory_space<vmem>> -> memref<64x128xf32, #tpu.memory_space<vmem>>
      %gather3A_361 = tpu.vector_load_idx %gather3A_360[%add3A_355, %add3A_321] : memref<64x128xf32, #tpu.memory_space<vmem>>[vector<16xi32>, vector<16xi32>], vector<16xf32>,
      tpu.vector_store_idx %arg8[%add3A_355, %add3A_325], %gather3A_361 : memref<64x128xf32, #tpu.memory_space<vmem>>[vector<16xi32>, vector<16xi32>], vector<16xf32>,
      %lt3A_362 = arith.constant 63 : i32
      %lt3A_363 = arith.cmpi slt, %scan3A_196, %lt3A_362 : i32
      %convert_element_type3A_364 = arith.extui %lt3A_363 : i1 to i32
      %cond3A_365 = arith.constant 0 : i32
      %cond3A_366 = arith.cmpi ne, %convert_element_type3A_364, %cond3A_365 : i32
      scf.if %cond3A_366 {
        %add3A_936 = arith.constant 8 : i32
        %add3A_937 = arith.addi %add3A_279, %add3A_936 : i32
        %get3A_938 = arith.index_cast %add3A_937 : i32 to index
        %get3A_939 = memref.load %arg6[%get3A_938] : memref<512xi32, #tpu.memory_space<smem>>
        %shift_right_arithmetic3A_940 = arith.constant 7 : i32
        %shift_right_arithmetic3A_941 = arith.shrsi %get3A_939, %shift_right_arithmetic3A_940 : i32
        %mul3A_942 = arith.constant 128 : i32
        %mul3A_943 = arith.muli %shift_right_arithmetic3A_941, %mul3A_942 : i32
        %multiple_of3A_944 = tpu.assume_multiple %mul3A_943, 128 : i32
        %dma_start3A_945 = arith.constant 1 : i32
        %dma_start3A_946 = arith.constant 1 : i32
        %dma_start3A_947 = arith.constant 0 : i32
        %dma_start3A_948 = arith.constant 0 : i32
        %dma_start3A_949 = tpu.memref_slice %arg7[%dma_start3A_945, %dma_start3A_947, %dma_start3A_948] : memref<8x64x128xf32, #tpu.memory_space<vmem>> -> memref<1x64x128xf32, #tpu.memory_space<vmem>>
        %dma_start3A_950 = tpu.memref_squeeze %dma_start3A_949 : memref<1x64x128xf32, #tpu.memory_space<vmem>> -> memref<64x128xf32, #tpu.memory_space<vmem>>
        %dma_start3A_951 = arith.constant 0 : i32
        %dma_start3A_952 = tpu.memref_slice %arg2[%dma_start3A_951, %multiple_of3A_944] : memref<64x1000000xf32, #tpu.memory_space<hbm>> -> memref<64x128xf32, #tpu.memory_space<hbm>>
        %dma_start3A_953 = tpu.memref_slice %arg9[%dma_start3A_946] : memref<8x!tpu.dma_semaphore, #tpu.memory_space<semaphore_mem>> -> memref<1x!tpu.dma_semaphore, #tpu.memory_space<semaphore_mem>>
        %dma_start3A_954 = tpu.memref_squeeze %dma_start3A_953 : memref<1x!tpu.dma_semaphore, #tpu.memory_space<semaphore_mem>> -> memref<!tpu.dma_semaphore, #tpu.memory_space<semaphore_mem>>
        %dma_start3A_955 = arith.constant 0 : i32
        %dma_start3A_956 = arith.constant 0 : i32
        %dma_start3A_957 = tpu.memref_slice %arg7[%dma_start3A_945, %dma_start3A_955, %dma_start3A_956] : memref<8x64x128xf32, #tpu.memory_space<vmem>> -> memref<1x64x128xf32, #tpu.memory_space<vmem>>
        %dma_start3A_958 = tpu.memref_squeeze %dma_start3A_957 : memref<1x64x128xf32, #tpu.memory_space<vmem>> -> memref<64x128xf32, #tpu.memory_space<vmem>>
        %dma_start3A_959 = arith.constant 0 : i32
        %dma_start3A_960 = tpu.memref_slice %arg2[%dma_start3A_959, %multiple_of3A_944] : memref<64x1000000xf32, #tpu.memory_space<hbm>> -> memref<64x128xf32, #tpu.memory_space<hbm>>
        tpu.enqueue_dma source(%dma_start3A_960 : memref<64x128xf32, #tpu.memory_space<hbm>>) target(%dma_start3A_958 : memref<64x128xf32, #tpu.memory_space<vmem>>) target_semaphore(%dma_start3A_954 : memref<!tpu.dma_semaphore, #tpu.memory_space<semaphore_mem>>)
      } else {
      }
      %mul3A_367 = arith.constant 8 : i32
      %mul3A_368 = arith.muli %scan3A_196, %mul3A_367 : i32
      %add3A_369 = arith.constant 2 : i32
      %add3A_370 = arith.addi %mul3A_368, %add3A_369 : i32
      %dma_wait3A_371 = arith.constant 2 : i32
      %dma_wait3A_372 = arith.constant 2 : i32
      %dma_wait3A_373 = arith.constant 0 : i32
      %dma_wait3A_374 = arith.constant 0 : i32
      %dma_wait3A_375 = tpu.memref_slice %arg7[%dma_wait3A_371, %dma_wait3A_373, %dma_wait3A_374] : memref<8x64x128xf32, #tpu.memory_space<vmem>> -> memref<1x64x128xf32, #tpu.memory_space<vmem>>
      %dma_wait3A_376 = tpu.memref_squeeze %dma_wait3A_375 : memref<1x64x128xf32, #tpu.memory_space<vmem>> -> memref<64x128xf32, #tpu.memory_space<vmem>>
      %dma_wait3A_377 = arith.constant 0 : i32
      %dma_wait3A_378 = arith.constant 0 : i32
      %dma_wait3A_379 = tpu.memref_slice %arg2[%dma_wait3A_377, %dma_wait3A_378] : memref<64x1000000xf32, #tpu.memory_space<hbm>> -> memref<64x128xf32, #tpu.memory_space<hbm>>
      %dma_wait3A_380 = tpu.memref_slice %arg9[%dma_wait3A_372] : memref<8x!tpu.dma_semaphore, #tpu.memory_space<semaphore_mem>> -> memref<1x!tpu.dma_semaphore, #tpu.memory_space<semaphore_mem>>
      %dma_wait3A_381 = tpu.memref_squeeze %dma_wait3A_380 : memref<1x!tpu.dma_semaphore, #tpu.memory_space<semaphore_mem>> -> memref<!tpu.dma_semaphore, #tpu.memory_space<semaphore_mem>>
      %dma_wait3A_382 = arith.constant 0 : i32
      %dma_wait3A_383 = arith.constant 0 : i32
      %dma_wait3A_384 = tpu.memref_slice %arg7[%dma_wait3A_371, %dma_wait3A_382, %dma_wait3A_383] : memref<8x64x128xf32, #tpu.memory_space<vmem>> -> memref<1x64x128xf32, #tpu.memory_space<vmem>>
      %dma_wait3A_385 = tpu.memref_squeeze %dma_wait3A_384 : memref<1x64x128xf32, #tpu.memory_space<vmem>> -> memref<64x128xf32, #tpu.memory_space<vmem>>
      %dma_wait3A_386 = arith.constant 0 : i32
      %dma_wait3A_387 = arith.constant 0 : i32
      %dma_wait3A_388 = tpu.memref_slice %arg2[%dma_wait3A_386, %dma_wait3A_387] : memref<64x1000000xf32, #tpu.memory_space<hbm>> -> memref<64x128xf32, #tpu.memory_space<hbm>>
      tpu.wait_dma2 semaphore(%dma_wait3A_381 : memref<!tpu.dma_semaphore, #tpu.memory_space<semaphore_mem>>) src(%dma_wait3A_388 : memref<64x128xf32, #tpu.memory_space<hbm>>) dst(%dma_wait3A_385 : memref<64x128xf32, #tpu.memory_space<vmem>>)
      %get3A_389 = arith.index_cast %add3A_370 : i32 to index
      %get3A_390 = memref.load %arg6[%get3A_389] : memref<512xi32, #tpu.memory_space<smem>>
      %and3A_391 = arith.constant 127 : i32
      %and3A_392 = arith.andi %get3A_390, %and3A_391 : i32
      %jit3A_393 = arith.constant 128 : i32
      %eq3A_394 = arith.constant 0 : i32
      %eq3A_395 = arith.cmpi eq, %jit3A_393, %eq3A_394 : i32
      %jit3A_396 = arith.constant 1 : i32
      %select_n3A_397 = arith.select %eq3A_395, %jit3A_396, %jit3A_393 : i32
      %rem3A_398 = arith.remsi %add3A_370, %select_n3A_397 : i32
      %ne3A_399 = arith.constant 0 : i32
      %ne3A_400 = arith.cmpi ne, %rem3A_398, %ne3A_399 : i32
      %lt3A_401 = arith.constant 0 : i32
      %lt3A_402 = arith.cmpi slt, %rem3A_398, %lt3A_401 : i32
      %lt3A_403 = arith.constant 0 : i32
      %lt3A_404 = arith.cmpi slt, %select_n3A_397, %lt3A_403 : i32
      %ne3A_405 = arith.xori %lt3A_402, %lt3A_404 : i1
      %and3A_406 = arith.andi %ne3A_405, %ne3A_400 : i1
      %add3A_407 = arith.addi %rem3A_398, %select_n3A_397 : i32
      %select_n3A_408 = arith.select %and3A_406, %add3A_407, %rem3A_398 : i32
      %broadcast_in_dim3A_409 = arith.constant 0 : i32
      %broadcast_in_dim3A_410 = vector.broadcast %broadcast_in_dim3A_409 : i32 to vector<16xi32>
      %add3A_411 = vector.broadcast %and3A_392 : i32 to vector<16xi32>
      %add3A_412 = arith.addi %broadcast_in_dim3A_410, %add3A_411 : vector<16xi32>
      %broadcast_in_dim3A_413 = arith.constant 0 : i32
      %broadcast_in_dim3A_414 = vector.broadcast %broadcast_in_dim3A_413 : i32 to vector<16xi32>
      %add3A_415 = vector.broadcast %select_n3A_408 : i32 to vector<16xi32>
      %add3A_416 = arith.addi %broadcast_in_dim3A_414, %add3A_415 : vector<16xi32>
      %add3A_417 = arith.constant 0 : i32
      %add3A_418 = vector.broadcast %add3A_417 : i32 to vector<16xi32>
      %add3A_419 = arith.addi %iota3A, %add3A_418 : vector<16xi32>
      %gather3A_420 = arith.constant 2 : i32
      %gather3A_421 = arith.constant 0 : i32
      %gather3A_422 = arith.constant 0 : i32
      %gather3A_423 = tpu.memref_slice %arg7[%gather3A_420, %gather3A_421, %gather3A_422] : memref<8x64x128xf32, #tpu.memory_space<vmem>> -> memref<1x64x128xf32, #tpu.memory_space<vmem>>
      %gather3A_424 = tpu.memref_squeeze %gather3A_423 : memref<1x64x128xf32, #tpu.memory_space<vmem>> -> memref<64x128xf32, #tpu.memory_space<vmem>>
      %gather3A_425 = tpu.vector_load_idx %gather3A_424[%add3A_419, %add3A_412] : memref<64x128xf32, #tpu.memory_space<vmem>>[vector<16xi32>, vector<16xi32>], vector<16xf32>,
      tpu.vector_store_idx %arg8[%add3A_419, %add3A_416], %gather3A_425 : memref<64x128xf32, #tpu.memory_space<vmem>>[vector<16xi32>, vector<16xi32>], vector<16xf32>,
      %add3A_426 = arith.constant 16 : i32
      %add3A_427 = vector.broadcast %add3A_426 : i32 to vector<16xi32>
      %add3A_428 = arith.addi %iota3A, %add3A_427 : vector<16xi32>
      %gather3A_429 = arith.constant 2 : i32
      %gather3A_430 = arith.constant 0 : i32
      %gather3A_431 = arith.constant 0 : i32
      %gather3A_432 = tpu.memref_slice %arg7[%gather3A_429, %gather3A_430, %gather3A_431] : memref<8x64x128xf32, #tpu.memory_space<vmem>> -> memref<1x64x128xf32, #tpu.memory_space<vmem>>
      %gather3A_433 = tpu.memref_squeeze %gather3A_432 : memref<1x64x128xf32, #tpu.memory_space<vmem>> -> memref<64x128xf32, #tpu.memory_space<vmem>>
      %gather3A_434 = tpu.vector_load_idx %gather3A_433[%add3A_428, %add3A_412] : memref<64x128xf32, #tpu.memory_space<vmem>>[vector<16xi32>, vector<16xi32>], vector<16xf32>,
      tpu.vector_store_idx %arg8[%add3A_428, %add3A_416], %gather3A_434 : memref<64x128xf32, #tpu.memory_space<vmem>>[vector<16xi32>, vector<16xi32>], vector<16xf32>,
      %add3A_435 = arith.constant 32 : i32
      %add3A_436 = vector.broadcast %add3A_435 : i32 to vector<16xi32>
      %add3A_437 = arith.addi %iota3A, %add3A_436 : vector<16xi32>
      %gather3A_438 = arith.constant 2 : i32
      %gather3A_439 = arith.constant 0 : i32
      %gather3A_440 = arith.constant 0 : i32
      %gather3A_441 = tpu.memref_slice %arg7[%gather3A_438, %gather3A_439, %gather3A_440] : memref<8x64x128xf32, #tpu.memory_space<vmem>> -> memref<1x64x128xf32, #tpu.memory_space<vmem>>
      %gather3A_442 = tpu.memref_squeeze %gather3A_441 : memref<1x64x128xf32, #tpu.memory_space<vmem>> -> memref<64x128xf32, #tpu.memory_space<vmem>>
      %gather3A_443 = tpu.vector_load_idx %gather3A_442[%add3A_437, %add3A_412] : memref<64x128xf32, #tpu.memory_space<vmem>>[vector<16xi32>, vector<16xi32>], vector<16xf32>,
      tpu.vector_store_idx %arg8[%add3A_437, %add3A_416], %gather3A_443 : memref<64x128xf32, #tpu.memory_space<vmem>>[vector<16xi32>, vector<16xi32>], vector<16xf32>,
      %add3A_444 = arith.constant 48 : i32
      %add3A_445 = vector.broadcast %add3A_444 : i32 to vector<16xi32>
      %add3A_446 = arith.addi %iota3A, %add3A_445 : vector<16xi32>
      %gather3A_447 = arith.constant 2 : i32
      %gather3A_448 = arith.constant 0 : i32
      %gather3A_449 = arith.constant 0 : i32
      %gather3A_450 = tpu.memref_slice %arg7[%gather3A_447, %gather3A_448, %gather3A_449] : memref<8x64x128xf32, #tpu.memory_space<vmem>> -> memref<1x64x128xf32, #tpu.memory_space<vmem>>
      %gather3A_451 = tpu.memref_squeeze %gather3A_450 : memref<1x64x128xf32, #tpu.memory_space<vmem>> -> memref<64x128xf32, #tpu.memory_space<vmem>>
      %gather3A_452 = tpu.vector_load_idx %gather3A_451[%add3A_446, %add3A_412] : memref<64x128xf32, #tpu.memory_space<vmem>>[vector<16xi32>, vector<16xi32>], vector<16xf32>,
      tpu.vector_store_idx %arg8[%add3A_446, %add3A_416], %gather3A_452 : memref<64x128xf32, #tpu.memory_space<vmem>>[vector<16xi32>, vector<16xi32>], vector<16xf32>,
      %lt3A_453 = arith.constant 63 : i32
      %lt3A_454 = arith.cmpi slt, %scan3A_196, %lt3A_453 : i32
      %convert_element_type3A_455 = arith.extui %lt3A_454 : i1 to i32
      %cond3A_456 = arith.constant 0 : i32
      %cond3A_457 = arith.cmpi ne, %convert_element_type3A_455, %cond3A_456 : i32
      scf.if %cond3A_457 {
        %add3A_936 = arith.constant 8 : i32
        %add3A_937 = arith.addi %add3A_370, %add3A_936 : i32
        %get3A_938 = arith.index_cast %add3A_937 : i32 to index
        %get3A_939 = memref.load %arg6[%get3A_938] : memref<512xi32, #tpu.memory_space<smem>>
        %shift_right_arithmetic3A_940 = arith.constant 7 : i32
        %shift_right_arithmetic3A_941 = arith.shrsi %get3A_939, %shift_right_arithmetic3A_940 : i32
        %mul3A_942 = arith.constant 128 : i32
        %mul3A_943 = arith.muli %shift_right_arithmetic3A_941, %mul3A_942 : i32
        %multiple_of3A_944 = tpu.assume_multiple %mul3A_943, 128 : i32
        %dma_start3A_945 = arith.constant 2 : i32
        %dma_start3A_946 = arith.constant 2 : i32
        %dma_start3A_947 = arith.constant 0 : i32
        %dma_start3A_948 = arith.constant 0 : i32
        %dma_start3A_949 = tpu.memref_slice %arg7[%dma_start3A_945, %dma_start3A_947, %dma_start3A_948] : memref<8x64x128xf32, #tpu.memory_space<vmem>> -> memref<1x64x128xf32, #tpu.memory_space<vmem>>
        %dma_start3A_950 = tpu.memref_squeeze %dma_start3A_949 : memref<1x64x128xf32, #tpu.memory_space<vmem>> -> memref<64x128xf32, #tpu.memory_space<vmem>>
        %dma_start3A_951 = arith.constant 0 : i32
        %dma_start3A_952 = tpu.memref_slice %arg2[%dma_start3A_951, %multiple_of3A_944] : memref<64x1000000xf32, #tpu.memory_space<hbm>> -> memref<64x128xf32, #tpu.memory_space<hbm>>
        %dma_start3A_953 = tpu.memref_slice %arg9[%dma_start3A_946] : memref<8x!tpu.dma_semaphore, #tpu.memory_space<semaphore_mem>> -> memref<1x!tpu.dma_semaphore, #tpu.memory_space<semaphore_mem>>
        %dma_start3A_954 = tpu.memref_squeeze %dma_start3A_953 : memref<1x!tpu.dma_semaphore, #tpu.memory_space<semaphore_mem>> -> memref<!tpu.dma_semaphore, #tpu.memory_space<semaphore_mem>>
        %dma_start3A_955 = arith.constant 0 : i32
        %dma_start3A_956 = arith.constant 0 : i32
        %dma_start3A_957 = tpu.memref_slice %arg7[%dma_start3A_945, %dma_start3A_955, %dma_start3A_956] : memref<8x64x128xf32, #tpu.memory_space<vmem>> -> memref<1x64x128xf32, #tpu.memory_space<vmem>>
        %dma_start3A_958 = tpu.memref_squeeze %dma_start3A_957 : memref<1x64x128xf32, #tpu.memory_space<vmem>> -> memref<64x128xf32, #tpu.memory_space<vmem>>
        %dma_start3A_959 = arith.constant 0 : i32
        %dma_start3A_960 = tpu.memref_slice %arg2[%dma_start3A_959, %multiple_of3A_944] : memref<64x1000000xf32, #tpu.memory_space<hbm>> -> memref<64x128xf32, #tpu.memory_space<hbm>>
        tpu.enqueue_dma source(%dma_start3A_960 : memref<64x128xf32, #tpu.memory_space<hbm>>) target(%dma_start3A_958 : memref<64x128xf32, #tpu.memory_space<vmem>>) target_semaphore(%dma_start3A_954 : memref<!tpu.dma_semaphore, #tpu.memory_space<semaphore_mem>>)
      } else {
      }
      %mul3A_458 = arith.constant 8 : i32
      %mul3A_459 = arith.muli %scan3A_196, %mul3A_458 : i32
      %add3A_460 = arith.constant 3 : i32
      %add3A_461 = arith.addi %mul3A_459, %add3A_460 : i32
      %dma_wait3A_462 = arith.constant 3 : i32
      %dma_wait3A_463 = arith.constant 3 : i32
      %dma_wait3A_464 = arith.constant 0 : i32
      %dma_wait3A_465 = arith.constant 0 : i32
      %dma_wait3A_466 = tpu.memref_slice %arg7[%dma_wait3A_462, %dma_wait3A_464, %dma_wait3A_465] : memref<8x64x128xf32, #tpu.memory_space<vmem>> -> memref<1x64x128xf32, #tpu.memory_space<vmem>>
      %dma_wait3A_467 = tpu.memref_squeeze %dma_wait3A_466 : memref<1x64x128xf32, #tpu.memory_space<vmem>> -> memref<64x128xf32, #tpu.memory_space<vmem>>
      %dma_wait3A_468 = arith.constant 0 : i32
      %dma_wait3A_469 = arith.constant 0 : i32
      %dma_wait3A_470 = tpu.memref_slice %arg2[%dma_wait3A_468, %dma_wait3A_469] : memref<64x1000000xf32, #tpu.memory_space<hbm>> -> memref<64x128xf32, #tpu.memory_space<hbm>>
      %dma_wait3A_471 = tpu.memref_slice %arg9[%dma_wait3A_463] : memref<8x!tpu.dma_semaphore, #tpu.memory_space<semaphore_mem>> -> memref<1x!tpu.dma_semaphore, #tpu.memory_space<semaphore_mem>>
      %dma_wait3A_472 = tpu.memref_squeeze %dma_wait3A_471 : memref<1x!tpu.dma_semaphore, #tpu.memory_space<semaphore_mem>> -> memref<!tpu.dma_semaphore, #tpu.memory_space<semaphore_mem>>
      %dma_wait3A_473 = arith.constant 0 : i32
      %dma_wait3A_474 = arith.constant 0 : i32
      %dma_wait3A_475 = tpu.memref_slice %arg7[%dma_wait3A_462, %dma_wait3A_473, %dma_wait3A_474] : memref<8x64x128xf32, #tpu.memory_space<vmem>> -> memref<1x64x128xf32, #tpu.memory_space<vmem>>
      %dma_wait3A_476 = tpu.memref_squeeze %dma_wait3A_475 : memref<1x64x128xf32, #tpu.memory_space<vmem>> -> memref<64x128xf32, #tpu.memory_space<vmem>>
      %dma_wait3A_477 = arith.constant 0 : i32
      %dma_wait3A_478 = arith.constant 0 : i32
      %dma_wait3A_479 = tpu.memref_slice %arg2[%dma_wait3A_477, %dma_wait3A_478] : memref<64x1000000xf32, #tpu.memory_space<hbm>> -> memref<64x128xf32, #tpu.memory_space<hbm>>
      tpu.wait_dma2 semaphore(%dma_wait3A_472 : memref<!tpu.dma_semaphore, #tpu.memory_space<semaphore_mem>>) src(%dma_wait3A_479 : memref<64x128xf32, #tpu.memory_space<hbm>>) dst(%dma_wait3A_476 : memref<64x128xf32, #tpu.memory_space<vmem>>)
      %get3A_480 = arith.index_cast %add3A_461 : i32 to index
      %get3A_481 = memref.load %arg6[%get3A_480] : memref<512xi32, #tpu.memory_space<smem>>
      %and3A_482 = arith.constant 127 : i32
      %and3A_483 = arith.andi %get3A_481, %and3A_482 : i32
      %jit3A_484 = arith.constant 128 : i32
      %eq3A_485 = arith.constant 0 : i32
      %eq3A_486 = arith.cmpi eq, %jit3A_484, %eq3A_485 : i32
      %jit3A_487 = arith.constant 1 : i32
      %select_n3A_488 = arith.select %eq3A_486, %jit3A_487, %jit3A_484 : i32
      %rem3A_489 = arith.remsi %add3A_461, %select_n3A_488 : i32
      %ne3A_490 = arith.constant 0 : i32
      %ne3A_491 = arith.cmpi ne, %rem3A_489, %ne3A_490 : i32
      %lt3A_492 = arith.constant 0 : i32
      %lt3A_493 = arith.cmpi slt, %rem3A_489, %lt3A_492 : i32
      %lt3A_494 = arith.constant 0 : i32
      %lt3A_495 = arith.cmpi slt, %select_n3A_488, %lt3A_494 : i32
      %ne3A_496 = arith.xori %lt3A_493, %lt3A_495 : i1
      %and3A_497 = arith.andi %ne3A_496, %ne3A_491 : i1
      %add3A_498 = arith.addi %rem3A_489, %select_n3A_488 : i32
      %select_n3A_499 = arith.select %and3A_497, %add3A_498, %rem3A_489 : i32
      %broadcast_in_dim3A_500 = arith.constant 0 : i32
      %broadcast_in_dim3A_501 = vector.broadcast %broadcast_in_dim3A_500 : i32 to vector<16xi32>
      %add3A_502 = vector.broadcast %and3A_483 : i32 to vector<16xi32>
      %add3A_503 = arith.addi %broadcast_in_dim3A_501, %add3A_502 : vector<16xi32>
      %broadcast_in_dim3A_504 = arith.constant 0 : i32
      %broadcast_in_dim3A_505 = vector.broadcast %broadcast_in_dim3A_504 : i32 to vector<16xi32>
      %add3A_506 = vector.broadcast %select_n3A_499 : i32 to vector<16xi32>
      %add3A_507 = arith.addi %broadcast_in_dim3A_505, %add3A_506 : vector<16xi32>
      %add3A_508 = arith.constant 0 : i32
      %add3A_509 = vector.broadcast %add3A_508 : i32 to vector<16xi32>
      %add3A_510 = arith.addi %iota3A, %add3A_509 : vector<16xi32>
      %gather3A_511 = arith.constant 3 : i32
      %gather3A_512 = arith.constant 0 : i32
      %gather3A_513 = arith.constant 0 : i32
      %gather3A_514 = tpu.memref_slice %arg7[%gather3A_511, %gather3A_512, %gather3A_513] : memref<8x64x128xf32, #tpu.memory_space<vmem>> -> memref<1x64x128xf32, #tpu.memory_space<vmem>>
      %gather3A_515 = tpu.memref_squeeze %gather3A_514 : memref<1x64x128xf32, #tpu.memory_space<vmem>> -> memref<64x128xf32, #tpu.memory_space<vmem>>
      %gather3A_516 = tpu.vector_load_idx %gather3A_515[%add3A_510, %add3A_503] : memref<64x128xf32, #tpu.memory_space<vmem>>[vector<16xi32>, vector<16xi32>], vector<16xf32>,
      tpu.vector_store_idx %arg8[%add3A_510, %add3A_507], %gather3A_516 : memref<64x128xf32, #tpu.memory_space<vmem>>[vector<16xi32>, vector<16xi32>], vector<16xf32>,
      %add3A_517 = arith.constant 16 : i32
      %add3A_518 = vector.broadcast %add3A_517 : i32 to vector<16xi32>
      %add3A_519 = arith.addi %iota3A, %add3A_518 : vector<16xi32>
      %gather3A_520 = arith.constant 3 : i32
      %gather3A_521 = arith.constant 0 : i32
      %gather3A_522 = arith.constant 0 : i32
      %gather3A_523 = tpu.memref_slice %arg7[%gather3A_520, %gather3A_521, %gather3A_522] : memref<8x64x128xf32, #tpu.memory_space<vmem>> -> memref<1x64x128xf32, #tpu.memory_space<vmem>>
      %gather3A_524 = tpu.memref_squeeze %gather3A_523 : memref<1x64x128xf32, #tpu.memory_space<vmem>> -> memref<64x128xf32, #tpu.memory_space<vmem>>
      %gather3A_525 = tpu.vector_load_idx %gather3A_524[%add3A_519, %add3A_503] : memref<64x128xf32, #tpu.memory_space<vmem>>[vector<16xi32>, vector<16xi32>], vector<16xf32>,
      tpu.vector_store_idx %arg8[%add3A_519, %add3A_507], %gather3A_525 : memref<64x128xf32, #tpu.memory_space<vmem>>[vector<16xi32>, vector<16xi32>], vector<16xf32>,
      %add3A_526 = arith.constant 32 : i32
      %add3A_527 = vector.broadcast %add3A_526 : i32 to vector<16xi32>
      %add3A_528 = arith.addi %iota3A, %add3A_527 : vector<16xi32>
      %gather3A_529 = arith.constant 3 : i32
      %gather3A_530 = arith.constant 0 : i32
      %gather3A_531 = arith.constant 0 : i32
      %gather3A_532 = tpu.memref_slice %arg7[%gather3A_529, %gather3A_530, %gather3A_531] : memref<8x64x128xf32, #tpu.memory_space<vmem>> -> memref<1x64x128xf32, #tpu.memory_space<vmem>>
      %gather3A_533 = tpu.memref_squeeze %gather3A_532 : memref<1x64x128xf32, #tpu.memory_space<vmem>> -> memref<64x128xf32, #tpu.memory_space<vmem>>
      %gather3A_534 = tpu.vector_load_idx %gather3A_533[%add3A_528, %add3A_503] : memref<64x128xf32, #tpu.memory_space<vmem>>[vector<16xi32>, vector<16xi32>], vector<16xf32>,
      tpu.vector_store_idx %arg8[%add3A_528, %add3A_507], %gather3A_534 : memref<64x128xf32, #tpu.memory_space<vmem>>[vector<16xi32>, vector<16xi32>], vector<16xf32>,
      %add3A_535 = arith.constant 48 : i32
      %add3A_536 = vector.broadcast %add3A_535 : i32 to vector<16xi32>
      %add3A_537 = arith.addi %iota3A, %add3A_536 : vector<16xi32>
      %gather3A_538 = arith.constant 3 : i32
      %gather3A_539 = arith.constant 0 : i32
      %gather3A_540 = arith.constant 0 : i32
      %gather3A_541 = tpu.memref_slice %arg7[%gather3A_538, %gather3A_539, %gather3A_540] : memref<8x64x128xf32, #tpu.memory_space<vmem>> -> memref<1x64x128xf32, #tpu.memory_space<vmem>>
      %gather3A_542 = tpu.memref_squeeze %gather3A_541 : memref<1x64x128xf32, #tpu.memory_space<vmem>> -> memref<64x128xf32, #tpu.memory_space<vmem>>
      %gather3A_543 = tpu.vector_load_idx %gather3A_542[%add3A_537, %add3A_503] : memref<64x128xf32, #tpu.memory_space<vmem>>[vector<16xi32>, vector<16xi32>], vector<16xf32>,
      tpu.vector_store_idx %arg8[%add3A_537, %add3A_507], %gather3A_543 : memref<64x128xf32, #tpu.memory_space<vmem>>[vector<16xi32>, vector<16xi32>], vector<16xf32>,
      %lt3A_544 = arith.constant 63 : i32
      %lt3A_545 = arith.cmpi slt, %scan3A_196, %lt3A_544 : i32
      %convert_element_type3A_546 = arith.extui %lt3A_545 : i1 to i32
      %cond3A_547 = arith.constant 0 : i32
      %cond3A_548 = arith.cmpi ne, %convert_element_type3A_546, %cond3A_547 : i32
      scf.if %cond3A_548 {
        %add3A_936 = arith.constant 8 : i32
        %add3A_937 = arith.addi %add3A_461, %add3A_936 : i32
        %get3A_938 = arith.index_cast %add3A_937 : i32 to index
        %get3A_939 = memref.load %arg6[%get3A_938] : memref<512xi32, #tpu.memory_space<smem>>
        %shift_right_arithmetic3A_940 = arith.constant 7 : i32
        %shift_right_arithmetic3A_941 = arith.shrsi %get3A_939, %shift_right_arithmetic3A_940 : i32
        %mul3A_942 = arith.constant 128 : i32
        %mul3A_943 = arith.muli %shift_right_arithmetic3A_941, %mul3A_942 : i32
        %multiple_of3A_944 = tpu.assume_multiple %mul3A_943, 128 : i32
        %dma_start3A_945 = arith.constant 3 : i32
        %dma_start3A_946 = arith.constant 3 : i32
        %dma_start3A_947 = arith.constant 0 : i32
        %dma_start3A_948 = arith.constant 0 : i32
        %dma_start3A_949 = tpu.memref_slice %arg7[%dma_start3A_945, %dma_start3A_947, %dma_start3A_948] : memref<8x64x128xf32, #tpu.memory_space<vmem>> -> memref<1x64x128xf32, #tpu.memory_space<vmem>>
        %dma_start3A_950 = tpu.memref_squeeze %dma_start3A_949 : memref<1x64x128xf32, #tpu.memory_space<vmem>> -> memref<64x128xf32, #tpu.memory_space<vmem>>
        %dma_start3A_951 = arith.constant 0 : i32
        %dma_start3A_952 = tpu.memref_slice %arg2[%dma_start3A_951, %multiple_of3A_944] : memref<64x1000000xf32, #tpu.memory_space<hbm>> -> memref<64x128xf32, #tpu.memory_space<hbm>>
        %dma_start3A_953 = tpu.memref_slice %arg9[%dma_start3A_946] : memref<8x!tpu.dma_semaphore, #tpu.memory_space<semaphore_mem>> -> memref<1x!tpu.dma_semaphore, #tpu.memory_space<semaphore_mem>>
        %dma_start3A_954 = tpu.memref_squeeze %dma_start3A_953 : memref<1x!tpu.dma_semaphore, #tpu.memory_space<semaphore_mem>> -> memref<!tpu.dma_semaphore, #tpu.memory_space<semaphore_mem>>
        %dma_start3A_955 = arith.constant 0 : i32
        %dma_start3A_956 = arith.constant 0 : i32
        %dma_start3A_957 = tpu.memref_slice %arg7[%dma_start3A_945, %dma_start3A_955, %dma_start3A_956] : memref<8x64x128xf32, #tpu.memory_space<vmem>> -> memref<1x64x128xf32, #tpu.memory_space<vmem>>
        %dma_start3A_958 = tpu.memref_squeeze %dma_start3A_957 : memref<1x64x128xf32, #tpu.memory_space<vmem>> -> memref<64x128xf32, #tpu.memory_space<vmem>>
        %dma_start3A_959 = arith.constant 0 : i32
        %dma_start3A_960 = tpu.memref_slice %arg2[%dma_start3A_959, %multiple_of3A_944] : memref<64x1000000xf32, #tpu.memory_space<hbm>> -> memref<64x128xf32, #tpu.memory_space<hbm>>
        tpu.enqueue_dma source(%dma_start3A_960 : memref<64x128xf32, #tpu.memory_space<hbm>>) target(%dma_start3A_958 : memref<64x128xf32, #tpu.memory_space<vmem>>) target_semaphore(%dma_start3A_954 : memref<!tpu.dma_semaphore, #tpu.memory_space<semaphore_mem>>)
      } else {
      }
      %mul3A_549 = arith.constant 8 : i32
      %mul3A_550 = arith.muli %scan3A_196, %mul3A_549 : i32
      %add3A_551 = arith.constant 4 : i32
      %add3A_552 = arith.addi %mul3A_550, %add3A_551 : i32
      %dma_wait3A_553 = arith.constant 4 : i32
      %dma_wait3A_554 = arith.constant 4 : i32
      %dma_wait3A_555 = arith.constant 0 : i32
      %dma_wait3A_556 = arith.constant 0 : i32
      %dma_wait3A_557 = tpu.memref_slice %arg7[%dma_wait3A_553, %dma_wait3A_555, %dma_wait3A_556] : memref<8x64x128xf32, #tpu.memory_space<vmem>> -> memref<1x64x128xf32, #tpu.memory_space<vmem>>
      %dma_wait3A_558 = tpu.memref_squeeze %dma_wait3A_557 : memref<1x64x128xf32, #tpu.memory_space<vmem>> -> memref<64x128xf32, #tpu.memory_space<vmem>>
      %dma_wait3A_559 = arith.constant 0 : i32
      %dma_wait3A_560 = arith.constant 0 : i32
      %dma_wait3A_561 = tpu.memref_slice %arg2[%dma_wait3A_559, %dma_wait3A_560] : memref<64x1000000xf32, #tpu.memory_space<hbm>> -> memref<64x128xf32, #tpu.memory_space<hbm>>
      %dma_wait3A_562 = tpu.memref_slice %arg9[%dma_wait3A_554] : memref<8x!tpu.dma_semaphore, #tpu.memory_space<semaphore_mem>> -> memref<1x!tpu.dma_semaphore, #tpu.memory_space<semaphore_mem>>
      %dma_wait3A_563 = tpu.memref_squeeze %dma_wait3A_562 : memref<1x!tpu.dma_semaphore, #tpu.memory_space<semaphore_mem>> -> memref<!tpu.dma_semaphore, #tpu.memory_space<semaphore_mem>>
      %dma_wait3A_564 = arith.constant 0 : i32
      %dma_wait3A_565 = arith.constant 0 : i32
      %dma_wait3A_566 = tpu.memref_slice %arg7[%dma_wait3A_553, %dma_wait3A_564, %dma_wait3A_565] : memref<8x64x128xf32, #tpu.memory_space<vmem>> -> memref<1x64x128xf32, #tpu.memory_space<vmem>>
      %dma_wait3A_567 = tpu.memref_squeeze %dma_wait3A_566 : memref<1x64x128xf32, #tpu.memory_space<vmem>> -> memref<64x128xf32, #tpu.memory_space<vmem>>
      %dma_wait3A_568 = arith.constant 0 : i32
      %dma_wait3A_569 = arith.constant 0 : i32
      %dma_wait3A_570 = tpu.memref_slice %arg2[%dma_wait3A_568, %dma_wait3A_569] : memref<64x1000000xf32, #tpu.memory_space<hbm>> -> memref<64x128xf32, #tpu.memory_space<hbm>>
      tpu.wait_dma2 semaphore(%dma_wait3A_563 : memref<!tpu.dma_semaphore, #tpu.memory_space<semaphore_mem>>) src(%dma_wait3A_570 : memref<64x128xf32, #tpu.memory_space<hbm>>) dst(%dma_wait3A_567 : memref<64x128xf32, #tpu.memory_space<vmem>>)
      %get3A_571 = arith.index_cast %add3A_552 : i32 to index
      %get3A_572 = memref.load %arg6[%get3A_571] : memref<512xi32, #tpu.memory_space<smem>>
      %and3A_573 = arith.constant 127 : i32
      %and3A_574 = arith.andi %get3A_572, %and3A_573 : i32
      %jit3A_575 = arith.constant 128 : i32
      %eq3A_576 = arith.constant 0 : i32
      %eq3A_577 = arith.cmpi eq, %jit3A_575, %eq3A_576 : i32
      %jit3A_578 = arith.constant 1 : i32
      %select_n3A_579 = arith.select %eq3A_577, %jit3A_578, %jit3A_575 : i32
      %rem3A_580 = arith.remsi %add3A_552, %select_n3A_579 : i32
      %ne3A_581 = arith.constant 0 : i32
      %ne3A_582 = arith.cmpi ne, %rem3A_580, %ne3A_581 : i32
      %lt3A_583 = arith.constant 0 : i32
      %lt3A_584 = arith.cmpi slt, %rem3A_580, %lt3A_583 : i32
      %lt3A_585 = arith.constant 0 : i32
      %lt3A_586 = arith.cmpi slt, %select_n3A_579, %lt3A_585 : i32
      %ne3A_587 = arith.xori %lt3A_584, %lt3A_586 : i1
      %and3A_588 = arith.andi %ne3A_587, %ne3A_582 : i1
      %add3A_589 = arith.addi %rem3A_580, %select_n3A_579 : i32
      %select_n3A_590 = arith.select %and3A_588, %add3A_589, %rem3A_580 : i32
      %broadcast_in_dim3A_591 = arith.constant 0 : i32
      %broadcast_in_dim3A_592 = vector.broadcast %broadcast_in_dim3A_591 : i32 to vector<16xi32>
      %add3A_593 = vector.broadcast %and3A_574 : i32 to vector<16xi32>
      %add3A_594 = arith.addi %broadcast_in_dim3A_592, %add3A_593 : vector<16xi32>
      %broadcast_in_dim3A_595 = arith.constant 0 : i32
      %broadcast_in_dim3A_596 = vector.broadcast %broadcast_in_dim3A_595 : i32 to vector<16xi32>
      %add3A_597 = vector.broadcast %select_n3A_590 : i32 to vector<16xi32>
      %add3A_598 = arith.addi %broadcast_in_dim3A_596, %add3A_597 : vector<16xi32>
      %add3A_599 = arith.constant 0 : i32
      %add3A_600 = vector.broadcast %add3A_599 : i32 to vector<16xi32>
      %add3A_601 = arith.addi %iota3A, %add3A_600 : vector<16xi32>
      %gather3A_602 = arith.constant 4 : i32
      %gather3A_603 = arith.constant 0 : i32
      %gather3A_604 = arith.constant 0 : i32
      %gather3A_605 = tpu.memref_slice %arg7[%gather3A_602, %gather3A_603, %gather3A_604] : memref<8x64x128xf32, #tpu.memory_space<vmem>> -> memref<1x64x128xf32, #tpu.memory_space<vmem>>
      %gather3A_606 = tpu.memref_squeeze %gather3A_605 : memref<1x64x128xf32, #tpu.memory_space<vmem>> -> memref<64x128xf32, #tpu.memory_space<vmem>>
      %gather3A_607 = tpu.vector_load_idx %gather3A_606[%add3A_601, %add3A_594] : memref<64x128xf32, #tpu.memory_space<vmem>>[vector<16xi32>, vector<16xi32>], vector<16xf32>,
      tpu.vector_store_idx %arg8[%add3A_601, %add3A_598], %gather3A_607 : memref<64x128xf32, #tpu.memory_space<vmem>>[vector<16xi32>, vector<16xi32>], vector<16xf32>,
      %add3A_608 = arith.constant 16 : i32
      %add3A_609 = vector.broadcast %add3A_608 : i32 to vector<16xi32>
      %add3A_610 = arith.addi %iota3A, %add3A_609 : vector<16xi32>
      %gather3A_611 = arith.constant 4 : i32
      %gather3A_612 = arith.constant 0 : i32
      %gather3A_613 = arith.constant 0 : i32
      %gather3A_614 = tpu.memref_slice %arg7[%gather3A_611, %gather3A_612, %gather3A_613] : memref<8x64x128xf32, #tpu.memory_space<vmem>> -> memref<1x64x128xf32, #tpu.memory_space<vmem>>
      %gather3A_615 = tpu.memref_squeeze %gather3A_614 : memref<1x64x128xf32, #tpu.memory_space<vmem>> -> memref<64x128xf32, #tpu.memory_space<vmem>>
      %gather3A_616 = tpu.vector_load_idx %gather3A_615[%add3A_610, %add3A_594] : memref<64x128xf32, #tpu.memory_space<vmem>>[vector<16xi32>, vector<16xi32>], vector<16xf32>,
      tpu.vector_store_idx %arg8[%add3A_610, %add3A_598], %gather3A_616 : memref<64x128xf32, #tpu.memory_space<vmem>>[vector<16xi32>, vector<16xi32>], vector<16xf32>,
      %add3A_617 = arith.constant 32 : i32
      %add3A_618 = vector.broadcast %add3A_617 : i32 to vector<16xi32>
      %add3A_619 = arith.addi %iota3A, %add3A_618 : vector<16xi32>
      %gather3A_620 = arith.constant 4 : i32
      %gather3A_621 = arith.constant 0 : i32
      %gather3A_622 = arith.constant 0 : i32
      %gather3A_623 = tpu.memref_slice %arg7[%gather3A_620, %gather3A_621, %gather3A_622] : memref<8x64x128xf32, #tpu.memory_space<vmem>> -> memref<1x64x128xf32, #tpu.memory_space<vmem>>
      %gather3A_624 = tpu.memref_squeeze %gather3A_623 : memref<1x64x128xf32, #tpu.memory_space<vmem>> -> memref<64x128xf32, #tpu.memory_space<vmem>>
      %gather3A_625 = tpu.vector_load_idx %gather3A_624[%add3A_619, %add3A_594] : memref<64x128xf32, #tpu.memory_space<vmem>>[vector<16xi32>, vector<16xi32>], vector<16xf32>,
      tpu.vector_store_idx %arg8[%add3A_619, %add3A_598], %gather3A_625 : memref<64x128xf32, #tpu.memory_space<vmem>>[vector<16xi32>, vector<16xi32>], vector<16xf32>,
      %add3A_626 = arith.constant 48 : i32
      %add3A_627 = vector.broadcast %add3A_626 : i32 to vector<16xi32>
      %add3A_628 = arith.addi %iota3A, %add3A_627 : vector<16xi32>
      %gather3A_629 = arith.constant 4 : i32
      %gather3A_630 = arith.constant 0 : i32
      %gather3A_631 = arith.constant 0 : i32
      %gather3A_632 = tpu.memref_slice %arg7[%gather3A_629, %gather3A_630, %gather3A_631] : memref<8x64x128xf32, #tpu.memory_space<vmem>> -> memref<1x64x128xf32, #tpu.memory_space<vmem>>
      %gather3A_633 = tpu.memref_squeeze %gather3A_632 : memref<1x64x128xf32, #tpu.memory_space<vmem>> -> memref<64x128xf32, #tpu.memory_space<vmem>>
      %gather3A_634 = tpu.vector_load_idx %gather3A_633[%add3A_628, %add3A_594] : memref<64x128xf32, #tpu.memory_space<vmem>>[vector<16xi32>, vector<16xi32>], vector<16xf32>,
      tpu.vector_store_idx %arg8[%add3A_628, %add3A_598], %gather3A_634 : memref<64x128xf32, #tpu.memory_space<vmem>>[vector<16xi32>, vector<16xi32>], vector<16xf32>,
      %lt3A_635 = arith.constant 63 : i32
      %lt3A_636 = arith.cmpi slt, %scan3A_196, %lt3A_635 : i32
      %convert_element_type3A_637 = arith.extui %lt3A_636 : i1 to i32
      %cond3A_638 = arith.constant 0 : i32
      %cond3A_639 = arith.cmpi ne, %convert_element_type3A_637, %cond3A_638 : i32
      scf.if %cond3A_639 {
        %add3A_936 = arith.constant 8 : i32
        %add3A_937 = arith.addi %add3A_552, %add3A_936 : i32
        %get3A_938 = arith.index_cast %add3A_937 : i32 to index
        %get3A_939 = memref.load %arg6[%get3A_938] : memref<512xi32, #tpu.memory_space<smem>>
        %shift_right_arithmetic3A_940 = arith.constant 7 : i32
        %shift_right_arithmetic3A_941 = arith.shrsi %get3A_939, %shift_right_arithmetic3A_940 : i32
        %mul3A_942 = arith.constant 128 : i32
        %mul3A_943 = arith.muli %shift_right_arithmetic3A_941, %mul3A_942 : i32
        %multiple_of3A_944 = tpu.assume_multiple %mul3A_943, 128 : i32
        %dma_start3A_945 = arith.constant 4 : i32
        %dma_start3A_946 = arith.constant 4 : i32
        %dma_start3A_947 = arith.constant 0 : i32
        %dma_start3A_948 = arith.constant 0 : i32
        %dma_start3A_949 = tpu.memref_slice %arg7[%dma_start3A_945, %dma_start3A_947, %dma_start3A_948] : memref<8x64x128xf32, #tpu.memory_space<vmem>> -> memref<1x64x128xf32, #tpu.memory_space<vmem>>
        %dma_start3A_950 = tpu.memref_squeeze %dma_start3A_949 : memref<1x64x128xf32, #tpu.memory_space<vmem>> -> memref<64x128xf32, #tpu.memory_space<vmem>>
        %dma_start3A_951 = arith.constant 0 : i32
        %dma_start3A_952 = tpu.memref_slice %arg2[%dma_start3A_951, %multiple_of3A_944] : memref<64x1000000xf32, #tpu.memory_space<hbm>> -> memref<64x128xf32, #tpu.memory_space<hbm>>
        %dma_start3A_953 = tpu.memref_slice %arg9[%dma_start3A_946] : memref<8x!tpu.dma_semaphore, #tpu.memory_space<semaphore_mem>> -> memref<1x!tpu.dma_semaphore, #tpu.memory_space<semaphore_mem>>
        %dma_start3A_954 = tpu.memref_squeeze %dma_start3A_953 : memref<1x!tpu.dma_semaphore, #tpu.memory_space<semaphore_mem>> -> memref<!tpu.dma_semaphore, #tpu.memory_space<semaphore_mem>>
        %dma_start3A_955 = arith.constant 0 : i32
        %dma_start3A_956 = arith.constant 0 : i32
        %dma_start3A_957 = tpu.memref_slice %arg7[%dma_start3A_945, %dma_start3A_955, %dma_start3A_956] : memref<8x64x128xf32, #tpu.memory_space<vmem>> -> memref<1x64x128xf32, #tpu.memory_space<vmem>>
        %dma_start3A_958 = tpu.memref_squeeze %dma_start3A_957 : memref<1x64x128xf32, #tpu.memory_space<vmem>> -> memref<64x128xf32, #tpu.memory_space<vmem>>
        %dma_start3A_959 = arith.constant 0 : i32
        %dma_start3A_960 = tpu.memref_slice %arg2[%dma_start3A_959, %multiple_of3A_944] : memref<64x1000000xf32, #tpu.memory_space<hbm>> -> memref<64x128xf32, #tpu.memory_space<hbm>>
        tpu.enqueue_dma source(%dma_start3A_960 : memref<64x128xf32, #tpu.memory_space<hbm>>) target(%dma_start3A_958 : memref<64x128xf32, #tpu.memory_space<vmem>>) target_semaphore(%dma_start3A_954 : memref<!tpu.dma_semaphore, #tpu.memory_space<semaphore_mem>>)
      } else {
      }
      %mul3A_640 = arith.constant 8 : i32
      %mul3A_641 = arith.muli %scan3A_196, %mul3A_640 : i32
      %add3A_642 = arith.constant 5 : i32
      %add3A_643 = arith.addi %mul3A_641, %add3A_642 : i32
      %dma_wait3A_644 = arith.constant 5 : i32
      %dma_wait3A_645 = arith.constant 5 : i32
      %dma_wait3A_646 = arith.constant 0 : i32
      %dma_wait3A_647 = arith.constant 0 : i32
      %dma_wait3A_648 = tpu.memref_slice %arg7[%dma_wait3A_644, %dma_wait3A_646, %dma_wait3A_647] : memref<8x64x128xf32, #tpu.memory_space<vmem>> -> memref<1x64x128xf32, #tpu.memory_space<vmem>>
      %dma_wait3A_649 = tpu.memref_squeeze %dma_wait3A_648 : memref<1x64x128xf32, #tpu.memory_space<vmem>> -> memref<64x128xf32, #tpu.memory_space<vmem>>
      %dma_wait3A_650 = arith.constant 0 : i32
      %dma_wait3A_651 = arith.constant 0 : i32
      %dma_wait3A_652 = tpu.memref_slice %arg2[%dma_wait3A_650, %dma_wait3A_651] : memref<64x1000000xf32, #tpu.memory_space<hbm>> -> memref<64x128xf32, #tpu.memory_space<hbm>>
      %dma_wait3A_653 = tpu.memref_slice %arg9[%dma_wait3A_645] : memref<8x!tpu.dma_semaphore, #tpu.memory_space<semaphore_mem>> -> memref<1x!tpu.dma_semaphore, #tpu.memory_space<semaphore_mem>>
      %dma_wait3A_654 = tpu.memref_squeeze %dma_wait3A_653 : memref<1x!tpu.dma_semaphore, #tpu.memory_space<semaphore_mem>> -> memref<!tpu.dma_semaphore, #tpu.memory_space<semaphore_mem>>
      %dma_wait3A_655 = arith.constant 0 : i32
      %dma_wait3A_656 = arith.constant 0 : i32
      %dma_wait3A_657 = tpu.memref_slice %arg7[%dma_wait3A_644, %dma_wait3A_655, %dma_wait3A_656] : memref<8x64x128xf32, #tpu.memory_space<vmem>> -> memref<1x64x128xf32, #tpu.memory_space<vmem>>
      %dma_wait3A_658 = tpu.memref_squeeze %dma_wait3A_657 : memref<1x64x128xf32, #tpu.memory_space<vmem>> -> memref<64x128xf32, #tpu.memory_space<vmem>>
      %dma_wait3A_659 = arith.constant 0 : i32
      %dma_wait3A_660 = arith.constant 0 : i32
      %dma_wait3A_661 = tpu.memref_slice %arg2[%dma_wait3A_659, %dma_wait3A_660] : memref<64x1000000xf32, #tpu.memory_space<hbm>> -> memref<64x128xf32, #tpu.memory_space<hbm>>
      tpu.wait_dma2 semaphore(%dma_wait3A_654 : memref<!tpu.dma_semaphore, #tpu.memory_space<semaphore_mem>>) src(%dma_wait3A_661 : memref<64x128xf32, #tpu.memory_space<hbm>>) dst(%dma_wait3A_658 : memref<64x128xf32, #tpu.memory_space<vmem>>)
      %get3A_662 = arith.index_cast %add3A_643 : i32 to index
      %get3A_663 = memref.load %arg6[%get3A_662] : memref<512xi32, #tpu.memory_space<smem>>
      %and3A_664 = arith.constant 127 : i32
      %and3A_665 = arith.andi %get3A_663, %and3A_664 : i32
      %jit3A_666 = arith.constant 128 : i32
      %eq3A_667 = arith.constant 0 : i32
      %eq3A_668 = arith.cmpi eq, %jit3A_666, %eq3A_667 : i32
      %jit3A_669 = arith.constant 1 : i32
      %select_n3A_670 = arith.select %eq3A_668, %jit3A_669, %jit3A_666 : i32
      %rem3A_671 = arith.remsi %add3A_643, %select_n3A_670 : i32
      %ne3A_672 = arith.constant 0 : i32
      %ne3A_673 = arith.cmpi ne, %rem3A_671, %ne3A_672 : i32
      %lt3A_674 = arith.constant 0 : i32
      %lt3A_675 = arith.cmpi slt, %rem3A_671, %lt3A_674 : i32
      %lt3A_676 = arith.constant 0 : i32
      %lt3A_677 = arith.cmpi slt, %select_n3A_670, %lt3A_676 : i32
      %ne3A_678 = arith.xori %lt3A_675, %lt3A_677 : i1
      %and3A_679 = arith.andi %ne3A_678, %ne3A_673 : i1
      %add3A_680 = arith.addi %rem3A_671, %select_n3A_670 : i32
      %select_n3A_681 = arith.select %and3A_679, %add3A_680, %rem3A_671 : i32
      %broadcast_in_dim3A_682 = arith.constant 0 : i32
      %broadcast_in_dim3A_683 = vector.broadcast %broadcast_in_dim3A_682 : i32 to vector<16xi32>
      %add3A_684 = vector.broadcast %and3A_665 : i32 to vector<16xi32>
      %add3A_685 = arith.addi %broadcast_in_dim3A_683, %add3A_684 : vector<16xi32>
      %broadcast_in_dim3A_686 = arith.constant 0 : i32
      %broadcast_in_dim3A_687 = vector.broadcast %broadcast_in_dim3A_686 : i32 to vector<16xi32>
      %add3A_688 = vector.broadcast %select_n3A_681 : i32 to vector<16xi32>
      %add3A_689 = arith.addi %broadcast_in_dim3A_687, %add3A_688 : vector<16xi32>
      %add3A_690 = arith.constant 0 : i32
      %add3A_691 = vector.broadcast %add3A_690 : i32 to vector<16xi32>
      %add3A_692 = arith.addi %iota3A, %add3A_691 : vector<16xi32>
      %gather3A_693 = arith.constant 5 : i32
      %gather3A_694 = arith.constant 0 : i32
      %gather3A_695 = arith.constant 0 : i32
      %gather3A_696 = tpu.memref_slice %arg7[%gather3A_693, %gather3A_694, %gather3A_695] : memref<8x64x128xf32, #tpu.memory_space<vmem>> -> memref<1x64x128xf32, #tpu.memory_space<vmem>>
      %gather3A_697 = tpu.memref_squeeze %gather3A_696 : memref<1x64x128xf32, #tpu.memory_space<vmem>> -> memref<64x128xf32, #tpu.memory_space<vmem>>
      %gather3A_698 = tpu.vector_load_idx %gather3A_697[%add3A_692, %add3A_685] : memref<64x128xf32, #tpu.memory_space<vmem>>[vector<16xi32>, vector<16xi32>], vector<16xf32>,
      tpu.vector_store_idx %arg8[%add3A_692, %add3A_689], %gather3A_698 : memref<64x128xf32, #tpu.memory_space<vmem>>[vector<16xi32>, vector<16xi32>], vector<16xf32>,
      %add3A_699 = arith.constant 16 : i32
      %add3A_700 = vector.broadcast %add3A_699 : i32 to vector<16xi32>
      %add3A_701 = arith.addi %iota3A, %add3A_700 : vector<16xi32>
      %gather3A_702 = arith.constant 5 : i32
      %gather3A_703 = arith.constant 0 : i32
      %gather3A_704 = arith.constant 0 : i32
      %gather3A_705 = tpu.memref_slice %arg7[%gather3A_702, %gather3A_703, %gather3A_704] : memref<8x64x128xf32, #tpu.memory_space<vmem>> -> memref<1x64x128xf32, #tpu.memory_space<vmem>>
      %gather3A_706 = tpu.memref_squeeze %gather3A_705 : memref<1x64x128xf32, #tpu.memory_space<vmem>> -> memref<64x128xf32, #tpu.memory_space<vmem>>
      %gather3A_707 = tpu.vector_load_idx %gather3A_706[%add3A_701, %add3A_685] : memref<64x128xf32, #tpu.memory_space<vmem>>[vector<16xi32>, vector<16xi32>], vector<16xf32>,
      tpu.vector_store_idx %arg8[%add3A_701, %add3A_689], %gather3A_707 : memref<64x128xf32, #tpu.memory_space<vmem>>[vector<16xi32>, vector<16xi32>], vector<16xf32>,
      %add3A_708 = arith.constant 32 : i32
      %add3A_709 = vector.broadcast %add3A_708 : i32 to vector<16xi32>
      %add3A_710 = arith.addi %iota3A, %add3A_709 : vector<16xi32>
      %gather3A_711 = arith.constant 5 : i32
      %gather3A_712 = arith.constant 0 : i32
      %gather3A_713 = arith.constant 0 : i32
      %gather3A_714 = tpu.memref_slice %arg7[%gather3A_711, %gather3A_712, %gather3A_713] : memref<8x64x128xf32, #tpu.memory_space<vmem>> -> memref<1x64x128xf32, #tpu.memory_space<vmem>>
      %gather3A_715 = tpu.memref_squeeze %gather3A_714 : memref<1x64x128xf32, #tpu.memory_space<vmem>> -> memref<64x128xf32, #tpu.memory_space<vmem>>
      %gather3A_716 = tpu.vector_load_idx %gather3A_715[%add3A_710, %add3A_685] : memref<64x128xf32, #tpu.memory_space<vmem>>[vector<16xi32>, vector<16xi32>], vector<16xf32>,
      tpu.vector_store_idx %arg8[%add3A_710, %add3A_689], %gather3A_716 : memref<64x128xf32, #tpu.memory_space<vmem>>[vector<16xi32>, vector<16xi32>], vector<16xf32>,
      %add3A_717 = arith.constant 48 : i32
      %add3A_718 = vector.broadcast %add3A_717 : i32 to vector<16xi32>
      %add3A_719 = arith.addi %iota3A, %add3A_718 : vector<16xi32>
      %gather3A_720 = arith.constant 5 : i32
      %gather3A_721 = arith.constant 0 : i32
      %gather3A_722 = arith.constant 0 : i32
      %gather3A_723 = tpu.memref_slice %arg7[%gather3A_720, %gather3A_721, %gather3A_722] : memref<8x64x128xf32, #tpu.memory_space<vmem>> -> memref<1x64x128xf32, #tpu.memory_space<vmem>>
      %gather3A_724 = tpu.memref_squeeze %gather3A_723 : memref<1x64x128xf32, #tpu.memory_space<vmem>> -> memref<64x128xf32, #tpu.memory_space<vmem>>
      %gather3A_725 = tpu.vector_load_idx %gather3A_724[%add3A_719, %add3A_685] : memref<64x128xf32, #tpu.memory_space<vmem>>[vector<16xi32>, vector<16xi32>], vector<16xf32>,
      tpu.vector_store_idx %arg8[%add3A_719, %add3A_689], %gather3A_725 : memref<64x128xf32, #tpu.memory_space<vmem>>[vector<16xi32>, vector<16xi32>], vector<16xf32>,
      %lt3A_726 = arith.constant 63 : i32
      %lt3A_727 = arith.cmpi slt, %scan3A_196, %lt3A_726 : i32
      %convert_element_type3A_728 = arith.extui %lt3A_727 : i1 to i32
      %cond3A_729 = arith.constant 0 : i32
      %cond3A_730 = arith.cmpi ne, %convert_element_type3A_728, %cond3A_729 : i32
      scf.if %cond3A_730 {
        %add3A_936 = arith.constant 8 : i32
        %add3A_937 = arith.addi %add3A_643, %add3A_936 : i32
        %get3A_938 = arith.index_cast %add3A_937 : i32 to index
        %get3A_939 = memref.load %arg6[%get3A_938] : memref<512xi32, #tpu.memory_space<smem>>
        %shift_right_arithmetic3A_940 = arith.constant 7 : i32
        %shift_right_arithmetic3A_941 = arith.shrsi %get3A_939, %shift_right_arithmetic3A_940 : i32
        %mul3A_942 = arith.constant 128 : i32
        %mul3A_943 = arith.muli %shift_right_arithmetic3A_941, %mul3A_942 : i32
        %multiple_of3A_944 = tpu.assume_multiple %mul3A_943, 128 : i32
        %dma_start3A_945 = arith.constant 5 : i32
        %dma_start3A_946 = arith.constant 5 : i32
        %dma_start3A_947 = arith.constant 0 : i32
        %dma_start3A_948 = arith.constant 0 : i32
        %dma_start3A_949 = tpu.memref_slice %arg7[%dma_start3A_945, %dma_start3A_947, %dma_start3A_948] : memref<8x64x128xf32, #tpu.memory_space<vmem>> -> memref<1x64x128xf32, #tpu.memory_space<vmem>>
        %dma_start3A_950 = tpu.memref_squeeze %dma_start3A_949 : memref<1x64x128xf32, #tpu.memory_space<vmem>> -> memref<64x128xf32, #tpu.memory_space<vmem>>
        %dma_start3A_951 = arith.constant 0 : i32
        %dma_start3A_952 = tpu.memref_slice %arg2[%dma_start3A_951, %multiple_of3A_944] : memref<64x1000000xf32, #tpu.memory_space<hbm>> -> memref<64x128xf32, #tpu.memory_space<hbm>>
        %dma_start3A_953 = tpu.memref_slice %arg9[%dma_start3A_946] : memref<8x!tpu.dma_semaphore, #tpu.memory_space<semaphore_mem>> -> memref<1x!tpu.dma_semaphore, #tpu.memory_space<semaphore_mem>>
        %dma_start3A_954 = tpu.memref_squeeze %dma_start3A_953 : memref<1x!tpu.dma_semaphore, #tpu.memory_space<semaphore_mem>> -> memref<!tpu.dma_semaphore, #tpu.memory_space<semaphore_mem>>
        %dma_start3A_955 = arith.constant 0 : i32
        %dma_start3A_956 = arith.constant 0 : i32
        %dma_start3A_957 = tpu.memref_slice %arg7[%dma_start3A_945, %dma_start3A_955, %dma_start3A_956] : memref<8x64x128xf32, #tpu.memory_space<vmem>> -> memref<1x64x128xf32, #tpu.memory_space<vmem>>
        %dma_start3A_958 = tpu.memref_squeeze %dma_start3A_957 : memref<1x64x128xf32, #tpu.memory_space<vmem>> -> memref<64x128xf32, #tpu.memory_space<vmem>>
        %dma_start3A_959 = arith.constant 0 : i32
        %dma_start3A_960 = tpu.memref_slice %arg2[%dma_start3A_959, %multiple_of3A_944] : memref<64x1000000xf32, #tpu.memory_space<hbm>> -> memref<64x128xf32, #tpu.memory_space<hbm>>
        tpu.enqueue_dma source(%dma_start3A_960 : memref<64x128xf32, #tpu.memory_space<hbm>>) target(%dma_start3A_958 : memref<64x128xf32, #tpu.memory_space<vmem>>) target_semaphore(%dma_start3A_954 : memref<!tpu.dma_semaphore, #tpu.memory_space<semaphore_mem>>)
      } else {
      }
      %mul3A_731 = arith.constant 8 : i32
      %mul3A_732 = arith.muli %scan3A_196, %mul3A_731 : i32
      %add3A_733 = arith.constant 6 : i32
      %add3A_734 = arith.addi %mul3A_732, %add3A_733 : i32
      %dma_wait3A_735 = arith.constant 6 : i32
      %dma_wait3A_736 = arith.constant 6 : i32
      %dma_wait3A_737 = arith.constant 0 : i32
      %dma_wait3A_738 = arith.constant 0 : i32
      %dma_wait3A_739 = tpu.memref_slice %arg7[%dma_wait3A_735, %dma_wait3A_737, %dma_wait3A_738] : memref<8x64x128xf32, #tpu.memory_space<vmem>> -> memref<1x64x128xf32, #tpu.memory_space<vmem>>
      %dma_wait3A_740 = tpu.memref_squeeze %dma_wait3A_739 : memref<1x64x128xf32, #tpu.memory_space<vmem>> -> memref<64x128xf32, #tpu.memory_space<vmem>>
      %dma_wait3A_741 = arith.constant 0 : i32
      %dma_wait3A_742 = arith.constant 0 : i32
      %dma_wait3A_743 = tpu.memref_slice %arg2[%dma_wait3A_741, %dma_wait3A_742] : memref<64x1000000xf32, #tpu.memory_space<hbm>> -> memref<64x128xf32, #tpu.memory_space<hbm>>
      %dma_wait3A_744 = tpu.memref_slice %arg9[%dma_wait3A_736] : memref<8x!tpu.dma_semaphore, #tpu.memory_space<semaphore_mem>> -> memref<1x!tpu.dma_semaphore, #tpu.memory_space<semaphore_mem>>
      %dma_wait3A_745 = tpu.memref_squeeze %dma_wait3A_744 : memref<1x!tpu.dma_semaphore, #tpu.memory_space<semaphore_mem>> -> memref<!tpu.dma_semaphore, #tpu.memory_space<semaphore_mem>>
      %dma_wait3A_746 = arith.constant 0 : i32
      %dma_wait3A_747 = arith.constant 0 : i32
      %dma_wait3A_748 = tpu.memref_slice %arg7[%dma_wait3A_735, %dma_wait3A_746, %dma_wait3A_747] : memref<8x64x128xf32, #tpu.memory_space<vmem>> -> memref<1x64x128xf32, #tpu.memory_space<vmem>>
      %dma_wait3A_749 = tpu.memref_squeeze %dma_wait3A_748 : memref<1x64x128xf32, #tpu.memory_space<vmem>> -> memref<64x128xf32, #tpu.memory_space<vmem>>
      %dma_wait3A_750 = arith.constant 0 : i32
      %dma_wait3A_751 = arith.constant 0 : i32
      %dma_wait3A_752 = tpu.memref_slice %arg2[%dma_wait3A_750, %dma_wait3A_751] : memref<64x1000000xf32, #tpu.memory_space<hbm>> -> memref<64x128xf32, #tpu.memory_space<hbm>>
      tpu.wait_dma2 semaphore(%dma_wait3A_745 : memref<!tpu.dma_semaphore, #tpu.memory_space<semaphore_mem>>) src(%dma_wait3A_752 : memref<64x128xf32, #tpu.memory_space<hbm>>) dst(%dma_wait3A_749 : memref<64x128xf32, #tpu.memory_space<vmem>>)
      %get3A_753 = arith.index_cast %add3A_734 : i32 to index
      %get3A_754 = memref.load %arg6[%get3A_753] : memref<512xi32, #tpu.memory_space<smem>>
      %and3A_755 = arith.constant 127 : i32
      %and3A_756 = arith.andi %get3A_754, %and3A_755 : i32
      %jit3A_757 = arith.constant 128 : i32
      %eq3A_758 = arith.constant 0 : i32
      %eq3A_759 = arith.cmpi eq, %jit3A_757, %eq3A_758 : i32
      %jit3A_760 = arith.constant 1 : i32
      %select_n3A_761 = arith.select %eq3A_759, %jit3A_760, %jit3A_757 : i32
      %rem3A_762 = arith.remsi %add3A_734, %select_n3A_761 : i32
      %ne3A_763 = arith.constant 0 : i32
      %ne3A_764 = arith.cmpi ne, %rem3A_762, %ne3A_763 : i32
      %lt3A_765 = arith.constant 0 : i32
      %lt3A_766 = arith.cmpi slt, %rem3A_762, %lt3A_765 : i32
      %lt3A_767 = arith.constant 0 : i32
      %lt3A_768 = arith.cmpi slt, %select_n3A_761, %lt3A_767 : i32
      %ne3A_769 = arith.xori %lt3A_766, %lt3A_768 : i1
      %and3A_770 = arith.andi %ne3A_769, %ne3A_764 : i1
      %add3A_771 = arith.addi %rem3A_762, %select_n3A_761 : i32
      %select_n3A_772 = arith.select %and3A_770, %add3A_771, %rem3A_762 : i32
      %broadcast_in_dim3A_773 = arith.constant 0 : i32
      %broadcast_in_dim3A_774 = vector.broadcast %broadcast_in_dim3A_773 : i32 to vector<16xi32>
      %add3A_775 = vector.broadcast %and3A_756 : i32 to vector<16xi32>
      %add3A_776 = arith.addi %broadcast_in_dim3A_774, %add3A_775 : vector<16xi32>
      %broadcast_in_dim3A_777 = arith.constant 0 : i32
      %broadcast_in_dim3A_778 = vector.broadcast %broadcast_in_dim3A_777 : i32 to vector<16xi32>
      %add3A_779 = vector.broadcast %select_n3A_772 : i32 to vector<16xi32>
      %add3A_780 = arith.addi %broadcast_in_dim3A_778, %add3A_779 : vector<16xi32>
      %add3A_781 = arith.constant 0 : i32
      %add3A_782 = vector.broadcast %add3A_781 : i32 to vector<16xi32>
      %add3A_783 = arith.addi %iota3A, %add3A_782 : vector<16xi32>
      %gather3A_784 = arith.constant 6 : i32
      %gather3A_785 = arith.constant 0 : i32
      %gather3A_786 = arith.constant 0 : i32
      %gather3A_787 = tpu.memref_slice %arg7[%gather3A_784, %gather3A_785, %gather3A_786] : memref<8x64x128xf32, #tpu.memory_space<vmem>> -> memref<1x64x128xf32, #tpu.memory_space<vmem>>
      %gather3A_788 = tpu.memref_squeeze %gather3A_787 : memref<1x64x128xf32, #tpu.memory_space<vmem>> -> memref<64x128xf32, #tpu.memory_space<vmem>>
      %gather3A_789 = tpu.vector_load_idx %gather3A_788[%add3A_783, %add3A_776] : memref<64x128xf32, #tpu.memory_space<vmem>>[vector<16xi32>, vector<16xi32>], vector<16xf32>,
      tpu.vector_store_idx %arg8[%add3A_783, %add3A_780], %gather3A_789 : memref<64x128xf32, #tpu.memory_space<vmem>>[vector<16xi32>, vector<16xi32>], vector<16xf32>,
      %add3A_790 = arith.constant 16 : i32
      %add3A_791 = vector.broadcast %add3A_790 : i32 to vector<16xi32>
      %add3A_792 = arith.addi %iota3A, %add3A_791 : vector<16xi32>
      %gather3A_793 = arith.constant 6 : i32
      %gather3A_794 = arith.constant 0 : i32
      %gather3A_795 = arith.constant 0 : i32
      %gather3A_796 = tpu.memref_slice %arg7[%gather3A_793, %gather3A_794, %gather3A_795] : memref<8x64x128xf32, #tpu.memory_space<vmem>> -> memref<1x64x128xf32, #tpu.memory_space<vmem>>
      %gather3A_797 = tpu.memref_squeeze %gather3A_796 : memref<1x64x128xf32, #tpu.memory_space<vmem>> -> memref<64x128xf32, #tpu.memory_space<vmem>>
      %gather3A_798 = tpu.vector_load_idx %gather3A_797[%add3A_792, %add3A_776] : memref<64x128xf32, #tpu.memory_space<vmem>>[vector<16xi32>, vector<16xi32>], vector<16xf32>,
      tpu.vector_store_idx %arg8[%add3A_792, %add3A_780], %gather3A_798 : memref<64x128xf32, #tpu.memory_space<vmem>>[vector<16xi32>, vector<16xi32>], vector<16xf32>,
      %add3A_799 = arith.constant 32 : i32
      %add3A_800 = vector.broadcast %add3A_799 : i32 to vector<16xi32>
      %add3A_801 = arith.addi %iota3A, %add3A_800 : vector<16xi32>
      %gather3A_802 = arith.constant 6 : i32
      %gather3A_803 = arith.constant 0 : i32
      %gather3A_804 = arith.constant 0 : i32
      %gather3A_805 = tpu.memref_slice %arg7[%gather3A_802, %gather3A_803, %gather3A_804] : memref<8x64x128xf32, #tpu.memory_space<vmem>> -> memref<1x64x128xf32, #tpu.memory_space<vmem>>
      %gather3A_806 = tpu.memref_squeeze %gather3A_805 : memref<1x64x128xf32, #tpu.memory_space<vmem>> -> memref<64x128xf32, #tpu.memory_space<vmem>>
      %gather3A_807 = tpu.vector_load_idx %gather3A_806[%add3A_801, %add3A_776] : memref<64x128xf32, #tpu.memory_space<vmem>>[vector<16xi32>, vector<16xi32>], vector<16xf32>,
      tpu.vector_store_idx %arg8[%add3A_801, %add3A_780], %gather3A_807 : memref<64x128xf32, #tpu.memory_space<vmem>>[vector<16xi32>, vector<16xi32>], vector<16xf32>,
      %add3A_808 = arith.constant 48 : i32
      %add3A_809 = vector.broadcast %add3A_808 : i32 to vector<16xi32>
      %add3A_810 = arith.addi %iota3A, %add3A_809 : vector<16xi32>
      %gather3A_811 = arith.constant 6 : i32
      %gather3A_812 = arith.constant 0 : i32
      %gather3A_813 = arith.constant 0 : i32
      %gather3A_814 = tpu.memref_slice %arg7[%gather3A_811, %gather3A_812, %gather3A_813] : memref<8x64x128xf32, #tpu.memory_space<vmem>> -> memref<1x64x128xf32, #tpu.memory_space<vmem>>
      %gather3A_815 = tpu.memref_squeeze %gather3A_814 : memref<1x64x128xf32, #tpu.memory_space<vmem>> -> memref<64x128xf32, #tpu.memory_space<vmem>>
      %gather3A_816 = tpu.vector_load_idx %gather3A_815[%add3A_810, %add3A_776] : memref<64x128xf32, #tpu.memory_space<vmem>>[vector<16xi32>, vector<16xi32>], vector<16xf32>,
      tpu.vector_store_idx %arg8[%add3A_810, %add3A_780], %gather3A_816 : memref<64x128xf32, #tpu.memory_space<vmem>>[vector<16xi32>, vector<16xi32>], vector<16xf32>,
      %lt3A_817 = arith.constant 63 : i32
      %lt3A_818 = arith.cmpi slt, %scan3A_196, %lt3A_817 : i32
      %convert_element_type3A_819 = arith.extui %lt3A_818 : i1 to i32
      %cond3A_820 = arith.constant 0 : i32
      %cond3A_821 = arith.cmpi ne, %convert_element_type3A_819, %cond3A_820 : i32
      scf.if %cond3A_821 {
        %add3A_936 = arith.constant 8 : i32
        %add3A_937 = arith.addi %add3A_734, %add3A_936 : i32
        %get3A_938 = arith.index_cast %add3A_937 : i32 to index
        %get3A_939 = memref.load %arg6[%get3A_938] : memref<512xi32, #tpu.memory_space<smem>>
        %shift_right_arithmetic3A_940 = arith.constant 7 : i32
        %shift_right_arithmetic3A_941 = arith.shrsi %get3A_939, %shift_right_arithmetic3A_940 : i32
        %mul3A_942 = arith.constant 128 : i32
        %mul3A_943 = arith.muli %shift_right_arithmetic3A_941, %mul3A_942 : i32
        %multiple_of3A_944 = tpu.assume_multiple %mul3A_943, 128 : i32
        %dma_start3A_945 = arith.constant 6 : i32
        %dma_start3A_946 = arith.constant 6 : i32
        %dma_start3A_947 = arith.constant 0 : i32
        %dma_start3A_948 = arith.constant 0 : i32
        %dma_start3A_949 = tpu.memref_slice %arg7[%dma_start3A_945, %dma_start3A_947, %dma_start3A_948] : memref<8x64x128xf32, #tpu.memory_space<vmem>> -> memref<1x64x128xf32, #tpu.memory_space<vmem>>
        %dma_start3A_950 = tpu.memref_squeeze %dma_start3A_949 : memref<1x64x128xf32, #tpu.memory_space<vmem>> -> memref<64x128xf32, #tpu.memory_space<vmem>>
        %dma_start3A_951 = arith.constant 0 : i32
        %dma_start3A_952 = tpu.memref_slice %arg2[%dma_start3A_951, %multiple_of3A_944] : memref<64x1000000xf32, #tpu.memory_space<hbm>> -> memref<64x128xf32, #tpu.memory_space<hbm>>
        %dma_start3A_953 = tpu.memref_slice %arg9[%dma_start3A_946] : memref<8x!tpu.dma_semaphore, #tpu.memory_space<semaphore_mem>> -> memref<1x!tpu.dma_semaphore, #tpu.memory_space<semaphore_mem>>
        %dma_start3A_954 = tpu.memref_squeeze %dma_start3A_953 : memref<1x!tpu.dma_semaphore, #tpu.memory_space<semaphore_mem>> -> memref<!tpu.dma_semaphore, #tpu.memory_space<semaphore_mem>>
        %dma_start3A_955 = arith.constant 0 : i32
        %dma_start3A_956 = arith.constant 0 : i32
        %dma_start3A_957 = tpu.memref_slice %arg7[%dma_start3A_945, %dma_start3A_955, %dma_start3A_956] : memref<8x64x128xf32, #tpu.memory_space<vmem>> -> memref<1x64x128xf32, #tpu.memory_space<vmem>>
        %dma_start3A_958 = tpu.memref_squeeze %dma_start3A_957 : memref<1x64x128xf32, #tpu.memory_space<vmem>> -> memref<64x128xf32, #tpu.memory_space<vmem>>
        %dma_start3A_959 = arith.constant 0 : i32
        %dma_start3A_960 = tpu.memref_slice %arg2[%dma_start3A_959, %multiple_of3A_944] : memref<64x1000000xf32, #tpu.memory_space<hbm>> -> memref<64x128xf32, #tpu.memory_space<hbm>>
        tpu.enqueue_dma source(%dma_start3A_960 : memref<64x128xf32, #tpu.memory_space<hbm>>) target(%dma_start3A_958 : memref<64x128xf32, #tpu.memory_space<vmem>>) target_semaphore(%dma_start3A_954 : memref<!tpu.dma_semaphore, #tpu.memory_space<semaphore_mem>>)
      } else {
      }
      %mul3A_822 = arith.constant 8 : i32
      %mul3A_823 = arith.muli %scan3A_196, %mul3A_822 : i32
      %add3A_824 = arith.constant 7 : i32
      %add3A_825 = arith.addi %mul3A_823, %add3A_824 : i32
      %dma_wait3A_826 = arith.constant 7 : i32
      %dma_wait3A_827 = arith.constant 7 : i32
      %dma_wait3A_828 = arith.constant 0 : i32
      %dma_wait3A_829 = arith.constant 0 : i32
      %dma_wait3A_830 = tpu.memref_slice %arg7[%dma_wait3A_826, %dma_wait3A_828, %dma_wait3A_829] : memref<8x64x128xf32, #tpu.memory_space<vmem>> -> memref<1x64x128xf32, #tpu.memory_space<vmem>>
      %dma_wait3A_831 = tpu.memref_squeeze %dma_wait3A_830 : memref<1x64x128xf32, #tpu.memory_space<vmem>> -> memref<64x128xf32, #tpu.memory_space<vmem>>
      %dma_wait3A_832 = arith.constant 0 : i32
      %dma_wait3A_833 = arith.constant 0 : i32
      %dma_wait3A_834 = tpu.memref_slice %arg2[%dma_wait3A_832, %dma_wait3A_833] : memref<64x1000000xf32, #tpu.memory_space<hbm>> -> memref<64x128xf32, #tpu.memory_space<hbm>>
      %dma_wait3A_835 = tpu.memref_slice %arg9[%dma_wait3A_827] : memref<8x!tpu.dma_semaphore, #tpu.memory_space<semaphore_mem>> -> memref<1x!tpu.dma_semaphore, #tpu.memory_space<semaphore_mem>>
      %dma_wait3A_836 = tpu.memref_squeeze %dma_wait3A_835 : memref<1x!tpu.dma_semaphore, #tpu.memory_space<semaphore_mem>> -> memref<!tpu.dma_semaphore, #tpu.memory_space<semaphore_mem>>
      %dma_wait3A_837 = arith.constant 0 : i32
      %dma_wait3A_838 = arith.constant 0 : i32
      %dma_wait3A_839 = tpu.memref_slice %arg7[%dma_wait3A_826, %dma_wait3A_837, %dma_wait3A_838] : memref<8x64x128xf32, #tpu.memory_space<vmem>> -> memref<1x64x128xf32, #tpu.memory_space<vmem>>
      %dma_wait3A_840 = tpu.memref_squeeze %dma_wait3A_839 : memref<1x64x128xf32, #tpu.memory_space<vmem>> -> memref<64x128xf32, #tpu.memory_space<vmem>>
      %dma_wait3A_841 = arith.constant 0 : i32
      %dma_wait3A_842 = arith.constant 0 : i32
      %dma_wait3A_843 = tpu.memref_slice %arg2[%dma_wait3A_841, %dma_wait3A_842] : memref<64x1000000xf32, #tpu.memory_space<hbm>> -> memref<64x128xf32, #tpu.memory_space<hbm>>
      tpu.wait_dma2 semaphore(%dma_wait3A_836 : memref<!tpu.dma_semaphore, #tpu.memory_space<semaphore_mem>>) src(%dma_wait3A_843 : memref<64x128xf32, #tpu.memory_space<hbm>>) dst(%dma_wait3A_840 : memref<64x128xf32, #tpu.memory_space<vmem>>)
      %get3A_844 = arith.index_cast %add3A_825 : i32 to index
      %get3A_845 = memref.load %arg6[%get3A_844] : memref<512xi32, #tpu.memory_space<smem>>
      %and3A_846 = arith.constant 127 : i32
      %and3A_847 = arith.andi %get3A_845, %and3A_846 : i32
      %jit3A_848 = arith.constant 128 : i32
      %eq3A_849 = arith.constant 0 : i32
      %eq3A_850 = arith.cmpi eq, %jit3A_848, %eq3A_849 : i32
      %jit3A_851 = arith.constant 1 : i32
      %select_n3A_852 = arith.select %eq3A_850, %jit3A_851, %jit3A_848 : i32
      %rem3A_853 = arith.remsi %add3A_825, %select_n3A_852 : i32
      %ne3A_854 = arith.constant 0 : i32
      %ne3A_855 = arith.cmpi ne, %rem3A_853, %ne3A_854 : i32
      %lt3A_856 = arith.constant 0 : i32
      %lt3A_857 = arith.cmpi slt, %rem3A_853, %lt3A_856 : i32
      %lt3A_858 = arith.constant 0 : i32
      %lt3A_859 = arith.cmpi slt, %select_n3A_852, %lt3A_858 : i32
      %ne3A_860 = arith.xori %lt3A_857, %lt3A_859 : i1
      %and3A_861 = arith.andi %ne3A_860, %ne3A_855 : i1
      %add3A_862 = arith.addi %rem3A_853, %select_n3A_852 : i32
      %select_n3A_863 = arith.select %and3A_861, %add3A_862, %rem3A_853 : i32
      %broadcast_in_dim3A_864 = arith.constant 0 : i32
      %broadcast_in_dim3A_865 = vector.broadcast %broadcast_in_dim3A_864 : i32 to vector<16xi32>
      %add3A_866 = vector.broadcast %and3A_847 : i32 to vector<16xi32>
      %add3A_867 = arith.addi %broadcast_in_dim3A_865, %add3A_866 : vector<16xi32>
      %broadcast_in_dim3A_868 = arith.constant 0 : i32
      %broadcast_in_dim3A_869 = vector.broadcast %broadcast_in_dim3A_868 : i32 to vector<16xi32>
      %add3A_870 = vector.broadcast %select_n3A_863 : i32 to vector<16xi32>
      %add3A_871 = arith.addi %broadcast_in_dim3A_869, %add3A_870 : vector<16xi32>
      %add3A_872 = arith.constant 0 : i32
      %add3A_873 = vector.broadcast %add3A_872 : i32 to vector<16xi32>
      %add3A_874 = arith.addi %iota3A, %add3A_873 : vector<16xi32>
      %gather3A_875 = arith.constant 7 : i32
      %gather3A_876 = arith.constant 0 : i32
      %gather3A_877 = arith.constant 0 : i32
      %gather3A_878 = tpu.memref_slice %arg7[%gather3A_875, %gather3A_876, %gather3A_877] : memref<8x64x128xf32, #tpu.memory_space<vmem>> -> memref<1x64x128xf32, #tpu.memory_space<vmem>>
      %gather3A_879 = tpu.memref_squeeze %gather3A_878 : memref<1x64x128xf32, #tpu.memory_space<vmem>> -> memref<64x128xf32, #tpu.memory_space<vmem>>
      %gather3A_880 = tpu.vector_load_idx %gather3A_879[%add3A_874, %add3A_867] : memref<64x128xf32, #tpu.memory_space<vmem>>[vector<16xi32>, vector<16xi32>], vector<16xf32>,
      tpu.vector_store_idx %arg8[%add3A_874, %add3A_871], %gather3A_880 : memref<64x128xf32, #tpu.memory_space<vmem>>[vector<16xi32>, vector<16xi32>], vector<16xf32>,
      %add3A_881 = arith.constant 16 : i32
      %add3A_882 = vector.broadcast %add3A_881 : i32 to vector<16xi32>
      %add3A_883 = arith.addi %iota3A, %add3A_882 : vector<16xi32>
      %gather3A_884 = arith.constant 7 : i32
      %gather3A_885 = arith.constant 0 : i32
      %gather3A_886 = arith.constant 0 : i32
      %gather3A_887 = tpu.memref_slice %arg7[%gather3A_884, %gather3A_885, %gather3A_886] : memref<8x64x128xf32, #tpu.memory_space<vmem>> -> memref<1x64x128xf32, #tpu.memory_space<vmem>>
      %gather3A_888 = tpu.memref_squeeze %gather3A_887 : memref<1x64x128xf32, #tpu.memory_space<vmem>> -> memref<64x128xf32, #tpu.memory_space<vmem>>
      %gather3A_889 = tpu.vector_load_idx %gather3A_888[%add3A_883, %add3A_867] : memref<64x128xf32, #tpu.memory_space<vmem>>[vector<16xi32>, vector<16xi32>], vector<16xf32>,
      tpu.vector_store_idx %arg8[%add3A_883, %add3A_871], %gather3A_889 : memref<64x128xf32, #tpu.memory_space<vmem>>[vector<16xi32>, vector<16xi32>], vector<16xf32>,
      %add3A_890 = arith.constant 32 : i32
      %add3A_891 = vector.broadcast %add3A_890 : i32 to vector<16xi32>
      %add3A_892 = arith.addi %iota3A, %add3A_891 : vector<16xi32>
      %gather3A_893 = arith.constant 7 : i32
      %gather3A_894 = arith.constant 0 : i32
      %gather3A_895 = arith.constant 0 : i32
      %gather3A_896 = tpu.memref_slice %arg7[%gather3A_893, %gather3A_894, %gather3A_895] : memref<8x64x128xf32, #tpu.memory_space<vmem>> -> memref<1x64x128xf32, #tpu.memory_space<vmem>>
      %gather3A_897 = tpu.memref_squeeze %gather3A_896 : memref<1x64x128xf32, #tpu.memory_space<vmem>> -> memref<64x128xf32, #tpu.memory_space<vmem>>
      %gather3A_898 = tpu.vector_load_idx %gather3A_897[%add3A_892, %add3A_867] : memref<64x128xf32, #tpu.memory_space<vmem>>[vector<16xi32>, vector<16xi32>], vector<16xf32>,
      tpu.vector_store_idx %arg8[%add3A_892, %add3A_871], %gather3A_898 : memref<64x128xf32, #tpu.memory_space<vmem>>[vector<16xi32>, vector<16xi32>], vector<16xf32>,
      %add3A_899 = arith.constant 48 : i32
      %add3A_900 = vector.broadcast %add3A_899 : i32 to vector<16xi32>
      %add3A_901 = arith.addi %iota3A, %add3A_900 : vector<16xi32>
      %gather3A_902 = arith.constant 7 : i32
      %gather3A_903 = arith.constant 0 : i32
      %gather3A_904 = arith.constant 0 : i32
      %gather3A_905 = tpu.memref_slice %arg7[%gather3A_902, %gather3A_903, %gather3A_904] : memref<8x64x128xf32, #tpu.memory_space<vmem>> -> memref<1x64x128xf32, #tpu.memory_space<vmem>>
      %gather3A_906 = tpu.memref_squeeze %gather3A_905 : memref<1x64x128xf32, #tpu.memory_space<vmem>> -> memref<64x128xf32, #tpu.memory_space<vmem>>
      %gather3A_907 = tpu.vector_load_idx %gather3A_906[%add3A_901, %add3A_867] : memref<64x128xf32, #tpu.memory_space<vmem>>[vector<16xi32>, vector<16xi32>], vector<16xf32>,
      tpu.vector_store_idx %arg8[%add3A_901, %add3A_871], %gather3A_907 : memref<64x128xf32, #tpu.memory_space<vmem>>[vector<16xi32>, vector<16xi32>], vector<16xf32>,
      %lt3A_908 = arith.constant 63 : i32
      %lt3A_909 = arith.cmpi slt, %scan3A_196, %lt3A_908 : i32
      %convert_element_type3A_910 = arith.extui %lt3A_909 : i1 to i32
      %cond3A_911 = arith.constant 0 : i32
      %cond3A_912 = arith.cmpi ne, %convert_element_type3A_910, %cond3A_911 : i32
      scf.if %cond3A_912 {
        %add3A_936 = arith.constant 8 : i32
        %add3A_937 = arith.addi %add3A_825, %add3A_936 : i32
        %get3A_938 = arith.index_cast %add3A_937 : i32 to index
        %get3A_939 = memref.load %arg6[%get3A_938] : memref<512xi32, #tpu.memory_space<smem>>
        %shift_right_arithmetic3A_940 = arith.constant 7 : i32
        %shift_right_arithmetic3A_941 = arith.shrsi %get3A_939, %shift_right_arithmetic3A_940 : i32
        %mul3A_942 = arith.constant 128 : i32
        %mul3A_943 = arith.muli %shift_right_arithmetic3A_941, %mul3A_942 : i32
        %multiple_of3A_944 = tpu.assume_multiple %mul3A_943, 128 : i32
        %dma_start3A_945 = arith.constant 7 : i32
        %dma_start3A_946 = arith.constant 7 : i32
        %dma_start3A_947 = arith.constant 0 : i32
        %dma_start3A_948 = arith.constant 0 : i32
        %dma_start3A_949 = tpu.memref_slice %arg7[%dma_start3A_945, %dma_start3A_947, %dma_start3A_948] : memref<8x64x128xf32, #tpu.memory_space<vmem>> -> memref<1x64x128xf32, #tpu.memory_space<vmem>>
        %dma_start3A_950 = tpu.memref_squeeze %dma_start3A_949 : memref<1x64x128xf32, #tpu.memory_space<vmem>> -> memref<64x128xf32, #tpu.memory_space<vmem>>
        %dma_start3A_951 = arith.constant 0 : i32
        %dma_start3A_952 = tpu.memref_slice %arg2[%dma_start3A_951, %multiple_of3A_944] : memref<64x1000000xf32, #tpu.memory_space<hbm>> -> memref<64x128xf32, #tpu.memory_space<hbm>>
        %dma_start3A_953 = tpu.memref_slice %arg9[%dma_start3A_946] : memref<8x!tpu.dma_semaphore, #tpu.memory_space<semaphore_mem>> -> memref<1x!tpu.dma_semaphore, #tpu.memory_space<semaphore_mem>>
        %dma_start3A_954 = tpu.memref_squeeze %dma_start3A_953 : memref<1x!tpu.dma_semaphore, #tpu.memory_space<semaphore_mem>> -> memref<!tpu.dma_semaphore, #tpu.memory_space<semaphore_mem>>
        %dma_start3A_955 = arith.constant 0 : i32
        %dma_start3A_956 = arith.constant 0 : i32
        %dma_start3A_957 = tpu.memref_slice %arg7[%dma_start3A_945, %dma_start3A_955, %dma_start3A_956] : memref<8x64x128xf32, #tpu.memory_space<vmem>> -> memref<1x64x128xf32, #tpu.memory_space<vmem>>
        %dma_start3A_958 = tpu.memref_squeeze %dma_start3A_957 : memref<1x64x128xf32, #tpu.memory_space<vmem>> -> memref<64x128xf32, #tpu.memory_space<vmem>>
        %dma_start3A_959 = arith.constant 0 : i32
        %dma_start3A_960 = tpu.memref_slice %arg2[%dma_start3A_959, %multiple_of3A_944] : memref<64x1000000xf32, #tpu.memory_space<hbm>> -> memref<64x128xf32, #tpu.memory_space<hbm>>
        tpu.enqueue_dma source(%dma_start3A_960 : memref<64x128xf32, #tpu.memory_space<hbm>>) target(%dma_start3A_958 : memref<64x128xf32, #tpu.memory_space<vmem>>) target_semaphore(%dma_start3A_954 : memref<!tpu.dma_semaphore, #tpu.memory_space<semaphore_mem>>)
      } else {
      }
      %add3A_913 = arith.constant 1 : i32
      %add3A_914 = arith.addi %scan3A_196, %add3A_913 : i32
      %jit3A_915 = arith.constant 16 : i32
      %eq3A_916 = arith.constant 0 : i32
      %eq3A_917 = arith.cmpi eq, %jit3A_915, %eq3A_916 : i32
      %jit3A_918 = arith.constant 1 : i32
      %select_n3A_919 = arith.select %eq3A_917, %jit3A_918, %jit3A_915 : i32
      %rem3A_920 = arith.remsi %add3A_914, %select_n3A_919 : i32
      %ne3A_921 = arith.constant 0 : i32
      %ne3A_922 = arith.cmpi ne, %rem3A_920, %ne3A_921 : i32
      %lt3A_923 = arith.constant 0 : i32
      %lt3A_924 = arith.cmpi slt, %rem3A_920, %lt3A_923 : i32
      %lt3A_925 = arith.constant 0 : i32
      %lt3A_926 = arith.cmpi slt, %select_n3A_919, %lt3A_925 : i32
      %ne3A_927 = arith.xori %lt3A_924, %lt3A_926 : i1
      %and3A_928 = arith.andi %ne3A_927, %ne3A_922 : i1
      %add3A_929 = arith.addi %rem3A_920, %select_n3A_919 : i32
      %select_n3A_930 = arith.select %and3A_928, %add3A_929, %rem3A_920 : i32
      %eq3A_931 = arith.constant 0 : i32
      %eq3A_932 = arith.cmpi eq, %select_n3A_930, %eq3A_931 : i32
      %convert_element_type3A_933 = arith.extui %eq3A_932 : i1 to i32
      %cond3A_934 = arith.constant 0 : i32
      %cond3A_935 = arith.cmpi ne, %convert_element_type3A_933, %cond3A_934 : i32
      scf.if %cond3A_935 {
        %add3A_936 = arith.constant 1 : i32
        %add3A_937 = arith.addi %scan3A_196, %add3A_936 : i32
        %mul3A_938 = arith.constant 8 : i32
        %mul3A_939 = arith.muli %add3A_937, %mul3A_938 : i32
        %sub3A = arith.constant 128 : i32
        %sub3A_940 = arith.subi %mul3A_939, %sub3A : i32
        %add3A_941 = arith.addi %mul3A_2, %sub3A_940 : i32
        %multiple_of3A_942 = tpu.assume_multiple %add3A_941, 128 : i32
        "tpu.region"() ({
          %run_scoped3A = tpu.sem_alloc : memref<!tpu.dma_semaphore, #tpu.memory_space<semaphore_mem>>
          %dma_start3A_943 = arith.constant 0 : i32
          %dma_start3A_944 = tpu.memref_slice %arg4[%dma_start3A_943, %multiple_of3A_942] : memref<64x16384xf32, #tpu.memory_space<hbm>> -> memref<64x128xf32, #tpu.memory_space<hbm>>
          %dma_start3A_945 = arith.constant 0 : i32
          %dma_start3A_946 = tpu.memref_slice %arg4[%dma_start3A_945, %multiple_of3A_942] : memref<64x16384xf32, #tpu.memory_space<hbm>> -> memref<64x128xf32, #tpu.memory_space<hbm>>
          tpu.enqueue_dma source(%arg8 : memref<64x128xf32, #tpu.memory_space<vmem>>) target(%dma_start3A_946 : memref<64x128xf32, #tpu.memory_space<hbm>>) target_semaphore(%run_scoped3A : memref<!tpu.dma_semaphore, #tpu.memory_space<semaphore_mem>>)
          %dma_wait3A_947 = arith.constant 0 : i32
          %dma_wait3A_948 = tpu.memref_slice %arg4[%dma_wait3A_947, %multiple_of3A_942] : memref<64x16384xf32, #tpu.memory_space<hbm>> -> memref<64x128xf32, #tpu.memory_space<hbm>>
          %dma_wait3A_949 = arith.constant 0 : i32
          %dma_wait3A_950 = tpu.memref_slice %arg4[%dma_wait3A_949, %multiple_of3A_942] : memref<64x16384xf32, #tpu.memory_space<hbm>> -> memref<64x128xf32, #tpu.memory_space<hbm>>
          tpu.wait_dma2 semaphore(%run_scoped3A : memref<!tpu.dma_semaphore, #tpu.memory_space<semaphore_mem>>) src(%arg8 : memref<64x128xf32, #tpu.memory_space<vmem>>) dst(%dma_wait3A_950 : memref<64x128xf32, #tpu.memory_space<hbm>>)
          tpu.yield
        }) : () -> ()
      } else {
      }
    }
    %scan3A_195 = arith.constant 64 : i32
    return
  }
}

</mosaic_0001>

<sc_bundles>
// kernel: kernel.3.cloned.1.call-start
scs
__scs_entry_jumppad:
0x0: {  	(pc) =	sbr.rel $0x88, $3  }
0x1: {  	(tag) =	ssettag $0x0;
	lr =	simm.s32 $0x1  }
0x2: {  	[smem:$0x3F9F] =	sst lr;
	_ =	strace $0xD0000000  }
0x3: {  	_ = 	snop  }
0x4: {  	_ = 	snop  }
0x5: {  	_ = 	snop  }
0x6: {  	_ = 	snop  }
0x7: {  	_ = 	snop  }
__scs_overlays_trampoline_lowered:
0x8: {  	[smem:$0x3FAE] =	sst s0  }
0x9: {  	[smem:$0x3FAF] =	sst s1  }
0xa: {  	[smem:$0x3FB0] =	sst s2  }
0xb: {  	[smem:$0x3FB1] =	sst s3  }
0xc: {  	[smem:$0x3FB2] =	sst s4  }
0xd: {  	[smem:$0x3FB3] =	sst s5  }
0xe: {  	[smem:$0x3FB4] =	sst s6  }
0xf: {  	[smem:$0x3FB5] =	sst s7  }
0x10: {  	[smem:$0x3FB6] =	sst s8  }
0x11: {  	[smem:$0x3FB7] =	sst s9;
	s0 =	simm.s32 @!p0 $0x0  }
0x12: {  	s1 =	sld [smem:$0x3F9D];
	s0 =	simm.s32 @p0 $0x1  }
0x13: {  	[smem:$0x3FB8] =	sst s0;
	s0 =	simm.s32 @!p1 $0x0  }
0x14: {  	s2 =	sld [smem:$0x3F9C];
	s0 =	simm.s32 @p1 $0x1  }
0x15: {  	[smem:$0x3FB9] =	sst s0;
	s0 =	simm.s32 @!p2 $0x0  }
0x16: {  	s3 =	sld [smem:$0x3FDB];
	s0 =	simm.s32 @p2 $0x1  }
0x17: {  	s4 =	simm.s32 $0x1BF5;
	[smem:$0x3FBB] =	sst s0  }
0x18: {  	s0 =	sld [smem:$0x3F9E];
	_ =	swait.ge [sflag:s4], $0x0  }
0x19: {  	s7 =	sld [smem:$0x3F9F]  }
0x1a: {  	s8 =	sadd.s32 $0xFFFFE003, lr  }
0x1b: {  	s9 =	sadd.s32 $0xFFFFFEF7, lr;
	s5 =	simm.s32 $0xFFFFFFFF;
	p2 =	slt.u32 s8, $0xFFFFF086  }
0x1c: {  	p1 =	slt.u32 s9, $0xF7A;
	s5 =	simm.s32 @!p2 $0x0  }
0x1d: {  	s5 =	simm.s32 @p1 $0x1;
	p0 =	seq.s32 s7, s2  }
0x1e: {  	s7 =	smul.u32 @!p0 $0xF7A, s2;
	p2 =	seq.s32 @!p0 s5, $0x0  }
0x1f: {  	s9 =	smul.u32 $0xF7A, s1;
	s8 =	simm.s32 @!p0 $0x1BF5;
	p2 =	por !p2, p0  }
0x20: {  	[sflag:s8] =	ssyncset.s32 @!p0 $0xFFFFF086;
	s6 =	sadd.s32 @!p0 s3, s7;
	s7 =	simm.s32 @!p0 $0x108  }
0x21: {  	s3 =	sadd.s32 s3, s9;
	s6 =	sadd.s32 @!p0 $0x88, s6;
	s7 =	simm.s32 @p2 $0x1082  }
0x22: {  	[simem:s7], [sflag:s8] =	dma.local @!p0 [hbm:s6], $0xF7A  }
0x23: {  	s9 =	sor.u32 $0xD0000000, s2;
	s6 =	simm.s32 $0x108;
	_ =	swait.ge @!p0 [sflag:s8], $0x0  }
0x24: {  	s3 =	sadd.s32 $0x88, s3;
	s6 =	simm.s32 @!p1 $0x1082;
	[sflag:s4] =	ssyncset.s32 $0xFFFFF086  }
0x25: {  	[simem:s6], [sflag:s4] =	dma.local [hbm:s3], $0xF7A  }
0x26: {  	[smem:$0x3F9F] =	sst s1;
	(tag) =	ssettag s2;
	_ =	strace s9  }
0x27: {  	s1 =	sld [smem:$0x3FAF]  }
0x28: {  	s2 =	sld [smem:$0x3FB0]  }
0x29: {  	s4 =	sld [smem:$0x3FB2]  }
0x2a: {  	p0 =	seq.s32 s5, $0x0;
	s5 =	sld [smem:$0x3FB3]  }
0x2b: {  	s6 =	sld [smem:$0x3FB4]  }
0x2c: {  	s7 =	sld [smem:$0x3FB5]  }
0x2d: {  	s3 =	simm.s32 $0x108;
	s8 =	sld [smem:$0x3FB6]  }
0x2e: {  	s3 =	simm.s32 @!p0 $0x1082;
	s9 =	sld [smem:$0x3FB7]  }
0x2f: {  	lr =	sadd.s32 s0, s3;
	s0 =	sld [smem:$0x3FAE]  }
0x30: {  	s3 =	sld [smem:$0x3FB1]  }
0x31: {  	[smem:$0x3FBA] =	sst s10  }
0x32: {  	s10 =	sld [smem:$0x3FB8];
	_ =	sdelay $0x3  }
0x33: {  	p0 =	seq.s32 s10, $0x1;
	s10 =	sld [smem:$0x3FBA];
	_ =	sdelay $0x3  }
0x34: {  	[smem:$0x3FBA] =	sst s10  }
0x35: {  	s10 =	sld [smem:$0x3FB9];
	_ =	sdelay $0x3  }
0x36: {  	p1 =	seq.s32 s10, $0x1;
	s10 =	sld [smem:$0x3FBA];
	_ =	sdelay $0x3  }
0x37: {  	[smem:$0x3FBA] =	sst s10  }
0x38: {  	s10 =	sld [smem:$0x3FBB]  }
0x39: {  	_ = 	snop;
	(pc) =	sbr.ind lr, $3  }
0x3a: {  	_ = 	snop  }
0x3b: {  	_ = 	snop  }
0x3c: {  	p2 =	seq.s32 s10, $0x1;
	s10 =	sld [smem:$0x3FBA]  }
0x3d: {  	_ =	shalt  }
0x3e: {  	_ =	shalt  }
0x3f: {  	_ =	shalt  }
0x40: {  	_ =	shalt  }
0x41: {  	_ =	shalt  }
0x42: {  	_ =	shalt  }
0x43: {  	_ =	shalt  }
0x44: {  	_ =	shalt  }
0x45: {  	_ =	shalt  }
0x46: {  	_ =	shalt  }
0x47: {  	_ =	shalt  }
0x48: {  	_ =	shalt  }
0x49: {  	_ =	shalt  }
0x4a: {  	_ =	shalt  }
0x4b: {  	_ =	shalt  }
0x4c: {  	_ =	shalt  }
0x4d: {  	_ =	shalt  }
0x4e: {  	_ =	shalt  }
0x4f: {  	_ =	shalt  }
0x50: {  	_ =	shalt  }
0x51: {  	_ =	shalt  }
0x52: {  	_ =	shalt  }
0x53: {  	_ =	shalt  }
0x54: {  	_ =	shalt  }
0x55: {  	_ =	shalt  }
0x56: {  	_ =	shalt  }
0x57: {  	_ =	shalt  }
0x58: {  	_ =	shalt  }
0x59: {  	_ =	shalt  }
0x5a: {  	_ =	shalt  }
0x5b: {  	_ =	shalt  }
0x5c: {  	_ =	shalt  }
0x5d: {  	_ =	shalt  }
0x5e: {  	_ =	shalt  }
0x5f: {  	_ =	shalt  }
0x60: {  	_ =	shalt  }
0x61: {  	_ =	shalt  }
0x62: {  	_ =	shalt  }
0x63: {  	_ =	shalt  }
0x64: {  	_ =	shalt  }
0x65: {  	_ =	shalt  }
0x66: {  	_ =	shalt  }
0x67: {  	_ =	shalt  }
0x68: {  	_ =	shalt  }
0x69: {  	_ =	shalt  }
0x6a: {  	_ =	shalt  }
0x6b: {  	_ =	shalt  }
0x6c: {  	_ =	shalt  }
0x6d: {  	_ =	shalt  }
0x6e: {  	_ =	shalt  }
0x6f: {  	_ =	shalt  }
0x70: {  	_ =	shalt  }
0x71: {  	_ =	shalt  }
0x72: {  	_ =	shalt  }
0x73: {  	_ =	shalt  }
0x74: {  	_ =	shalt  }
0x75: {  	_ =	shalt  }
0x76: {  	_ =	shalt  }
0x77: {  	_ =	shalt  }
0x78: {  	_ =	shalt  }
0x79: {  	_ =	shalt  }
0x7a: {  	_ =	shalt  }
0x7b: {  	_ =	shalt  }
0x7c: {  	_ =	shalt  }
0x7d: {  	_ =	shalt  }
0x7e: {  	_ =	shalt  }
0x7f: {  	_ =	shalt  }
0x80: {  	_ =	shalt  }
0x81: {  	_ =	shalt  }
0x82: {  	_ =	shalt  }
0x83: {  	_ =	shalt  }
0x84: {  	_ =	shalt  }
0x85: {  	_ =	shalt  }
0x86: {  	_ =	shalt  }
0x87: {  	_ =	shalt  }
.Lfunc_end0:
.L_simem_size_0:
called_computation_lowered:
.L_overlay_start_0:
0x88: {  	s2 =	sld [smem:$0x3FD9]  }
0x89: {  	s3 =	sld [smem:$0x3FFE];
	_ =	sdelay $0x1  }
0x8a: {  	s1 =	srdreg.scid  }
0x8b: {  	s0 =	sand.u32 $0x1, s1  }
0x8c: {  	s18 =	sshll.u32 s0, $0xA;
	s2 =	sadd.s32 s3, s2  }
0x8d: {  	s2 =	sadd.s32 s2, s18  }
0x8e: {  	[smem:$0x3FC6] =	sst s2  }
0x8f: {  	_ = 	snop  }
0x90: {  	s2 =	sld [smem:$0x3FC9]  }
0x91: {  	s19 =	sld [smem:$0x3FC8]  }
0x92: {  	s4 =	sld [smem:$0x3FD0];
	(tm) =	ssettm $0x1  }
0x93: {  	s5 =	sld [smem:$0x3FFB];
	_ =	sdelay $0x3  }
0x94: {  	_ =	strace s5  }
0x95: {  	s5 =	sld [smem:$0x3FFC];
	_ =	sdelay $0x3  }
0x96: {  	_ =	strace s5  }
0x97: {  	s5 =	sld [smem:$0x3FFD];
	_ =	sdelay $0x3  }
0x98: {  	_ =	strace s5  }
0x99: {  	_ =	strace $0x8FFFFFFF  }
0x9a: {  	s20 =	sld [smem:$0x3FDB];
	_ =	sdelay $0x1  }
0x9b: {  	s6 =	simm.s32 $_scs_section_size  }
0x9c: {  	s7 =	simm.s32 $_size__tile_overlayer_lowered;
	s8 =	simm.s32 $_tile_overlayer_lowered  }
0x9d: {  	s23 =	simm.s32 $0x1BFF;
	s22 =	sshll.u32 s8, $0x1;
	s5 =	sadd.s32 s6, s20  }
0x9e: {  	s9 =	simm.s32 $0x0;
	s21 =	sshll.u32 s7, $0x1;
	s7 =	sadd.s32 s22, s5  }
0x9f: {  	[timem:s9], [sflag:s23] =	dma.local [hbm:s7], s21  }
0xa0: {  	_ =	swait.ge [sflag:s23], s21  }
0xa1: {  	s6 =	ssub.s32 $0x0, s21;
	[sflag:s23] =	ssyncset.done $0x0  }
0xa2: {  	[sflag:s23] =	ssyncadd.s32 s6;
	_ =	sdelay $0x1  }
0xa3: {  	s24 =	simm.s32 $0x1B8B  }
0xa4: {  	_ =	swait.ge [sflag:s24], $0x1  }
0xa5: {  	[sflag:s24] =	ssyncset.done $0x0  }
0xa6: {  	s25 =	simm.s32 $0x1B8E;
	[sflag:s24] =	ssyncadd.s32 $0xFFFFFFFF  }
0xa7: {  	s26 =	simm.s32 $execute0_lowered;
	[smem:$0x3FD2] =	sst s25  }
0xa8: {  	s6 =	sshll.u32 s26, $0x1;
	_ =	strace $0x80000046;
	[dreg:$0x1] =	wrdreg $0xFFFFFFFF  }
0xa9: {  	s28 =	simm.s32 $_size_execute0_lowered;
	s5 =	sadd.s32 s5, s6;
	[dreg:$0x0] =	wrdreg $0x0  }
0xaa: {  	s6 =	sshll.u32 s28, $0x1;
	[dreg:$0x2] =	wrdreg s5  }
0xab: {  	[dreg:$0x3] =	wrdreg s6  }
0xac: {  	[dreg:$0x4] =	wrdreg $0xC0  }
0xad: {  	_ =	task [dreg:s9], $0x5FFFF  }
0xae: {  	[dreg:$0x1] =	wrdreg $0xFFFFFFFF  }
0xaf: {  	[dreg:$0x0] =	wrdreg $0x60  }
0xb0: {  	[dreg:$0x2] =	wrdreg s19  }
0xb1: {  	[dreg:$0x3] =	wrdreg s2  }
0xb2: {  	[dreg:$0x4] =	wrdreg s4  }
0xb3: {  	[dreg:$0x5] =	wrdreg $0x0  }
0xb4: {  	[dreg:$0x6] =	wrdreg $0x9  }
0xb5: {  	_ =	task.clear_ibuf [dreg:s9], $0x7FFFF;
	_ =	strace $0x90000046  }
0xb6: {  	s29 =	simm.s32 $0x9;
	_ =	strace $0x80000048  }
0xb7: {  	_ =	swait.ge [sflag:s29], $0x1  }
0xb8: {  	[sflag:s29] =	ssyncadd.s32 $0xFFFFFFFF  }
0xb9: {  	_ =	strace $0x90000048  }
0xba: {  	_ =	sfence  }
0xbb: {  	s30 =	sld [smem:$0x0];
	_ =	sdelay $0x2  }
0xbc: {  	s31 =	sshll.u32 s1, $0xD;
	s1 =	sshrl.u32 s1, $0x2  }
0xbd: {  	s3 =	sand.u32 $0x4000, s31;
	s1 =	sadd.s32 s1, s30  }
0xbe: {  	s0 =	sor.u32 s3, s0;
	s1 =	sshll.u32 s1, $0x11  }
0xbf: {  	s0 =	sor.u32 s1, s0  }
0xc0: {  	s0 =	sadd.s32 $0x8F2B, s0  }
0xc1: {  	[sflag:s0] =	ssyncadd.remote.s32 $0x1  }
0xc2: {  	_ =	sfence.sel $0xFFFF  }
0xc3: {  	[dreg:$0x0] =	wrdreg $0xFFFFFFFF;
	(pc) =	sbr.abs _section_cstart, $3  }
0xc4: {  	[dreg:$0x1] =	wrdreg $0xFFFFFFFF  }
0xc5: {  	_ =	task.clear_ibuf [dreg:s9], $0x2FFFF;
	_ =	strace $0x9FFFFFFF  }
0xc6: {  	(tm) =	ssettm $0x7FFFFFFF  }
0xc7: {  	_ =	shalt  }
tec
execute0_lowered:
.L_overlay_start_1:
0x0: {  	(tag) =	ssettag $0x1  }
0x1: {  	s1 =	rddreg [dreg:$0x0]  }
0x2: {  	s0 =	rddreg [dreg:$0x1]  }
0x3: {  	s2 =	rddreg [dreg:$0x2]  }
0x4: {  	s3 =	rddreg [dreg:$0x3]  }
0x5: {  	s5 =	simm.s32 $0x0;
	s4 =	srdreg.scid;
	s10 =	stileid.u32  }
0x6: {  	s13 =	simm.s32 $0x1;
	s16 =	simm.s32 $0x9;
	s28 =	simm.s32 $0xC200  }
0x7: {  	s29 =	simm.s32 $0xE200;
	s30 =	simm.s32 $0x10200;
	s31 =	simm.s32 $0x2  }
0x8: {  	s15 =	simm.s32 $0x6;
	s17 =	simm.s32 $0x7;
	[smem:$0x7FF] =	sst s5  }
0x9: {  	s4 =	sand.u32 $0x1, s4;
	s7 =	sshll.u32 s10, $0xA;
	s8 =	sshll.u32 s10, $0x9  }
0xa: {  	s9 =	sshll.u32 s10, $0x7;
	s21 =	sshll.u32 s10, $0x6;
	_ =	strace $0x80000047  }
0xb: {  	s18 =	ssub.s32 $0x2, s4;
	s4 =	sshll.u32 s4, $0x9;
	s8 =	sand.u32 $0x1000, s8  }
0xc: {  	s19 =	sand.u32 $0x380, s9;
	s6 =	sshrl.u32 s18, $0x1;
	s3 =	sadd.s32 s8, s3  }
0xd: {  	s7 =	sor.u32 s4, s7;
	s5 =	ssub.s32 s18, s6;
	s4 =	sadd.s32 s19, s3  }
0xe: {  	s20 =	sshrl.u32 s7, $0x3;
	s2 =	sadd.s32 s7, s2;
	s19 =	simm.s32 $0x400  }
0xf: {  	s3 =	simm.s32 $0x4;
	s18 =	simm.s32 $0x8;
	s6 =	simm.s32 $0x0  }
0x10: {  	s0 =	sadd.s32 s0, s20;
	s7 =	sadd.s32 $0xFFFFFF80, s2;
	[dreg:$0x5] =	wrdreg s4  }
0x11: {  	s22 =	smax.u32 s5, $0x1;
	s23 =	sadd.s32 $0x400, s4;
	[dreg:$0x6] =	wrdreg s0  }
0x12: {  	s24 =	sadd.s32 $0x800, s4;
	s25 =	sadd.s32 $0xC00, s4;
	[dreg:$0x8] =	wrdreg s22  }
0x13: {  	s26 =	sshrl.u32 s4, $0x3;
	s20 =	simm.s32 $0x7A1400;
	[dreg:$0x9] =	wrdreg s23  }
.Ltmp0:
0x14: {  	s2 =	simm.s32 $0x5;
	[dreg:$0xa] =	wrdreg s24;
	(pc) =	sbr.rel .LBB2_1-.Ltmp0, $4  }
0x15: {  	v0 =	vlaneseq.u32;
	s5 =	simm.s32 $0x20000;
	s0 =	sor.u32 $0x1C09, s21;
	[dreg:$0xb] =	wrdreg s25  }
0x16: {  	v0 =	vmul.u32 $0x80, v0;
	[dreg:$0xc] =	wrdreg s26;
	s21 =	simm.s32 $0x200;
	s22 =	simm.s32 $0x2200  }
0x17: {  	s23 =	simm.s32 $0x4200;
	s24 =	simm.s32 $0x6200;
	s25 =	simm.s32 $0x8200  }
0x18: {  	v1 =	vor.u32 $0x800, v0;
	v2 =	vor.u32 $0x1000, v0;
	v3 =	vor.u32 $0x1800, v0;
	s26 =	simm.s32 $0xA200;
	[dreg:$0x7] =	wrdreg s0;
	s0 =	simm.s32 $0x3  }
.LBB2_5:
0x19: {  	s6 =	sadd.s32 $0x1, s6;
	s4 =	rddreg [dreg:$0x8]  }
0x1a: {  	p0 =	sne.s32 s6, s4  }
.Ltmp1:
0x1b: {  	_ = 	snop;
	(pc) =	sbr.rel @!p0 .LBB2_6-.Ltmp1, $1  }
0x1c: {  	_ =	sdelay $0x3  }
.LBB2_1:
0x1d: {  	s4 =	rddreg [dreg:$0x6]  }
0x1e: {  	s8 =	rddreg [dreg:$0x7]  }
0x1f: {  	s9 =	rddreg [dreg:$0xc];
	s10 =	simm.s32 $0x80;
	s11 =	simm.s32 $0x10  }
0x20: {  	[spmem:s9@s10], [sflag:s8] =	dma.strided [hbm:s4@s11], $0x40, s13, $0x10   }
0x21: {  	_ =	swait.ge [sflag:s16], $0x40  }
0x22: {  	[sflag:s16] =	ssyncset.done $0x0  }
0x23: {  	s12 =	simm.s32 $0x0;
	s14 =	rddreg [dreg:$0x5];
	[sflag:s16] =	ssyncadd.s32 $0xFFFFFFC0  }
0x24: {  	[smem:s12], [sflag:$0x9] =	stream.linear.gather [spmem:s14], $0x80, $0x38;
	[tilespmem:$0x12200] =	vst v63  }
0x25: {  	s4 =	rddreg [dreg:$0x9]  }
0x26: {  	[smem:s10], [sflag:$0x9] =	stream.linear.gather [spmem:s4], $0x80, $0x38;
	[tilespmem:$0x12200] =	vst v63  }
0x27: {  	s9 =	simm.s32 $0x100;
	s4 =	rddreg [dreg:$0xa]  }
0x28: {  	[smem:s9], [sflag:$0x9] =	stream.linear.gather [spmem:s4], $0x80, $0x38;
	[tilespmem:$0x12200] =	vst v63  }
0x29: {  	s10 =	simm.s32 $0x180;
	s4 =	rddreg [dreg:$0xb]  }
0x2a: {  	[smem:s10], [sflag:$0x9] =	stream.linear.gather [spmem:s4], $0x80, $0x38;
	[tilespmem:$0x12200] =	vst v63  }
0x2b: {  	_ =	swait.ge [sflag:s16], $0x200  }
0x2c: {  	[sflag:s16] =	ssyncset.done $0x0  }
0x2d: {  	[sflag:s16] =	ssyncadd.s32 $0xFFFFFE00  }
0x2e: {  	s11 =	sld [smem:$0x0]  }
0x2f: {  	s12 =	sld [smem:$0x1];
	_ =	sdelay $0x1  }
0x30: {  	s4 =	sld [smem:$0x2];
	s8 =	sand.u32 $0xFFFFF80, s11  }
0x31: {  	s10 =	sld [smem:$0x3];
	s14 =	sand.u32 $0xFFFFF80, s12;
	s8 =	sadd.s32 s1, s8  }
0x32: {  	[tilespmem:s21], [sflag:$0x1] =	stream.strided.gather [hbm4b:s8+s19], $0x2000, s20, s19, $0x38;
	[tilespmem:$0x12200] =	vst v63  }
0x33: {  	s9 =	sand.u32 $0xFFFFF80, s4;
	s12 =	sld [smem:$0x4];
	s8 =	sadd.s32 s1, s14  }
0x34: {  	[tilespmem:s22], [sflag:$0x2] =	stream.strided.gather [hbm4b:s8+s19], $0x2000, s20, s19, $0x38;
	[tilespmem:$0x12200] =	vst v63  }
0x35: {  	s11 =	sand.u32 $0xFFFFF80, s10;
	s4 =	sld [smem:$0x5];
	s8 =	sadd.s32 s1, s9  }
0x36: {  	[tilespmem:s23], [sflag:$0x3] =	stream.strided.gather [hbm4b:s8+s19], $0x2000, s20, s19, $0x38;
	[tilespmem:$0x12200] =	vst v63  }
0x37: {  	s10 =	sld [smem:$0x6];
	s14 =	sand.u32 $0xFFFFF80, s12;
	s8 =	sadd.s32 s1, s11  }
0x38: {  	[tilespmem:s24], [sflag:$0x4] =	stream.strided.gather [hbm4b:s8+s19], $0x2000, s20, s19, $0x38;
	[tilespmem:$0x12200] =	vst v63  }
0x39: {  	s12 =	sld [smem:$0x7];
	s9 =	sand.u32 $0xFFFFF80, s4;
	s8 =	sadd.s32 s1, s14  }
0x3a: {  	[tilespmem:s25], [sflag:$0x5] =	stream.strided.gather [hbm4b:s8+s19], $0x2000, s20, s19, $0x38;
	[tilespmem:$0x12200] =	vst v63  }
0x3b: {  	s11 =	sand.u32 $0xFFFFF80, s10;
	s8 =	sadd.s32 s1, s9  }
0x3c: {  	[tilespmem:s26], [sflag:$0x6] =	stream.strided.gather [hbm4b:s8+s19], $0x2000, s20, s19, $0x38;
	[tilespmem:$0x12200] =	vst v63  }
.Ltmp2:
0x3d: {  	s14 =	sand.u32 $0xFFFFF80, s12;
	s8 =	sadd.s32 s1, s11;
	(pc) =	sbr.rel .LBB2_2-.Ltmp2, $4  }
0x3e: {  	[tilespmem:s28], [sflag:$0x7] =	stream.strided.gather [hbm4b:s8+s19], $0x2000, s20, s19, $0x38;
	[tilespmem:$0x12200] =	vst v63  }
0x3f: {  	s8 =	sadd.s32 s1, s14  }
0x40: {  	[tilespmem:s29], [sflag:$0x8] =	stream.strided.gather [hbm4b:s8+s19], $0x2000, s20, s19, $0x38;
	[tilespmem:$0x12200] =	vst v63  }
0x41: {  	s8 =	simm.s32 $0x0  }
.LBB2_4:
0x42: {  	p0 =	slt.u32 s8, $0x40  }
.Ltmp3:
0x43: {  	_ = 	snop;
	(pc) =	sbr.rel @!p0 .LBB2_5-.Ltmp3, $1  }
0x44: {  	_ =	sdelay $0x3  }
.LBB2_2:
0x45: {  	_ =	swait.ge [sflag:s13], $0x2000  }
0x46: {  	[sflag:s13] =	ssyncset.done $0x0  }
0x47: {  	s14 =	sshll.u32 s8, $0x3;
	[sflag:s13] =	ssyncadd.s32 $0xFFFFE000  }
0x48: {  	s9 =	sld [smem:s14+$0x0];
	_ =	sdelay $0x2  }
0x49: {  	s10 =	sand.u32 $0x7F, s9  }
0x4a: {  	v4 =	vor.u32 s10, v0;
	_ =	sdelay $0x3  }
0x4b: {  	s9 =	sand.u32 $0x78, s14  }
0x4c: {  	v5 =	vor.u32 s9, v0;
	v4 =	vld.idx.msk [tilespmem:v4+s21+$0x0], $0xffff  }
0x4d: {  	v6 =	vor.u32 s10, v1;
	_ =	sdelay $0x3  }
0x4e: {  	[tilespmem:v5+s30+$0x0] =	vst.idx.msk $0xffff, v4  }
0x4f: {  	v5 =	vor.u32 s9, v1;
	v4 =	vld.idx.msk [tilespmem:v6+s21+$0x0], $0xffff  }
0x50: {  	v41 =	vor.u32 s10, v2;
	_ =	sdelay $0x3  }
0x51: {  	[tilespmem:v5+s30+$0x0] =	vst.idx.msk $0xffff, v4  }
0x52: {  	v5 =	vor.u32 s9, v2;
	v4 =	vld.idx.msk [tilespmem:v41+s21+$0x0], $0xffff  }
0x53: {  	v42 =	vor.u32 s10, v3;
	_ =	sdelay $0x3  }
0x54: {  	[tilespmem:v5+s30+$0x0] =	vst.idx.msk $0xffff, v4  }
0x55: {  	p0 =	seq.s32 s8, $0x3F;
	v5 =	vor.u32 s9, v3;
	v4 =	vld.idx.msk [tilespmem:v42+s21+$0x0], $0xffff  }
0x56: {  	s10 =	sld @!p0 [smem:s14+$0x8];
	_ =	sdelay $0x2  }
0x57: {  	s11 =	simm.s32 @!p0 $0x7A1400;
	s10 =	sand.u32 @!p0 $0xFFFFF80, s10  }
0x58: {  	s4 =	simm.s32 @!p0 $0x200;
	s12 =	sadd.s32 @!p0 s1, s10;
	s10 =	simm.s32 @!p0 $0x400;
	[tilespmem:v5+s30+$0x0] =	vst.idx.msk $0xffff, v4  }
0x59: {  	[tilespmem:s4], [sflag:$0x1] =	stream.strided.gather @!p0 [hbm4b:s12+s10], $0x2000, s11, s10, $0x38;
	[tilespmem:$0x12200] =	vst v63  }
0x5a: {  	_ =	swait.ge [sflag:s31], $0x2000  }
0x5b: {  	[sflag:s31] =	ssyncset.done $0x0  }
0x5c: {  	s4 =	sor.u32 $0x1, s14;
	[sflag:s31] =	ssyncadd.s32 $0xFFFFE000  }
0x5d: {  	s12 =	sld [smem:s4+$0x0];
	_ =	sdelay $0x2  }
0x5e: {  	s12 =	sand.u32 $0x7F, s12  }
0x5f: {  	v4 =	vor.u32 s12, v0;
	_ =	sdelay $0x3  }
0x60: {  	s4 =	sand.u32 $0x79, s4  }
0x61: {  	v5 =	vor.u32 s4, v0;
	v4 =	vld.idx.msk [tilespmem:v4+s22+$0x0], $0xffff  }
0x62: {  	v43 =	vor.u32 s12, v1;
	_ =	sdelay $0x3  }
0x63: {  	[tilespmem:v5+s30+$0x0] =	vst.idx.msk $0xffff, v4  }
0x64: {  	v5 =	vor.u32 s4, v1;
	v4 =	vld.idx.msk [tilespmem:v43+s22+$0x0], $0xffff  }
0x65: {  	v44 =	vor.u32 s12, v2;
	_ =	sdelay $0x3  }
0x66: {  	[tilespmem:v5+s30+$0x0] =	vst.idx.msk $0xffff, v4  }
0x67: {  	v5 =	vor.u32 s4, v2;
	v4 =	vld.idx.msk [tilespmem:v44+s22+$0x0], $0xffff  }
0x68: {  	v45 =	vor.u32 s12, v3;
	_ =	sdelay $0x3  }
0x69: {  	[tilespmem:v5+s30+$0x0] =	vst.idx.msk $0xffff, v4  }
0x6a: {  	v5 =	vor.u32 s4, v3;
	v4 =	vld.idx.msk [tilespmem:v45+s22+$0x0], $0xffff  }
0x6b: {  	s4 =	sld @!p0 [smem:s14+$0x9];
	_ =	sdelay $0x2  }
0x6c: {  	s4 =	sand.u32 @!p0 $0xFFFFF80, s4  }
0x6d: {  	s12 =	simm.s32 @!p0 $0x2200;
	s4 =	sadd.s32 @!p0 s1, s4;
	[tilespmem:v5+s30+$0x0] =	vst.idx.msk $0xffff, v4  }
0x6e: {  	[tilespmem:s12], [sflag:$0x2] =	stream.strided.gather @!p0 [hbm4b:s4+s10], $0x2000, s11, s10, $0x38;
	[tilespmem:$0x12200] =	vst v63  }
0x6f: {  	_ =	swait.ge [sflag:s0], $0x2000  }
0x70: {  	[sflag:s0] =	ssyncset.done $0x0  }
0x71: {  	s4 =	sor.u32 $0x2, s14;
	[sflag:s0] =	ssyncadd.s32 $0xFFFFE000  }
0x72: {  	s12 =	sld [smem:s4+$0x0];
	_ =	sdelay $0x2  }
0x73: {  	s12 =	sand.u32 $0x7F, s12  }
0x74: {  	v4 =	vor.u32 s12, v0;
	_ =	sdelay $0x3  }
0x75: {  	s4 =	sand.u32 $0x7A, s4  }
0x76: {  	v5 =	vor.u32 s4, v0;
	v4 =	vld.idx.msk [tilespmem:v4+s23+$0x0], $0xffff  }
0x77: {  	v46 =	vor.u32 s12, v1;
	_ =	sdelay $0x3  }
0x78: {  	[tilespmem:v5+s30+$0x0] =	vst.idx.msk $0xffff, v4  }
0x79: {  	v5 =	vor.u32 s4, v1;
	v4 =	vld.idx.msk [tilespmem:v46+s23+$0x0], $0xffff  }
0x7a: {  	v47 =	vor.u32 s12, v2;
	_ =	sdelay $0x3  }
0x7b: {  	[tilespmem:v5+s30+$0x0] =	vst.idx.msk $0xffff, v4  }
0x7c: {  	v5 =	vor.u32 s4, v2;
	v4 =	vld.idx.msk [tilespmem:v47+s23+$0x0], $0xffff  }
0x7d: {  	v48 =	vor.u32 s12, v3;
	_ =	sdelay $0x3  }
0x7e: {  	[tilespmem:v5+s30+$0x0] =	vst.idx.msk $0xffff, v4  }
0x7f: {  	v5 =	vor.u32 s4, v3;
	v4 =	vld.idx.msk [tilespmem:v48+s23+$0x0], $0xffff  }
0x80: {  	s4 =	sld @!p0 [smem:s14+$0xA];
	_ =	sdelay $0x2  }
0x81: {  	s4 =	sand.u32 @!p0 $0xFFFFF80, s4  }
0x82: {  	s12 =	simm.s32 @!p0 $0x4200;
	s4 =	sadd.s32 @!p0 s1, s4;
	[tilespmem:v5+s30+$0x0] =	vst.idx.msk $0xffff, v4  }
0x83: {  	[tilespmem:s12], [sflag:$0x3] =	stream.strided.gather @!p0 [hbm4b:s4+s10], $0x2000, s11, s10, $0x38;
	[tilespmem:$0x12200] =	vst v63  }
0x84: {  	_ =	swait.ge [sflag:s3], $0x2000  }
0x85: {  	[sflag:s3] =	ssyncset.done $0x0  }
0x86: {  	s4 =	sor.u32 $0x3, s14;
	[sflag:s3] =	ssyncadd.s32 $0xFFFFE000  }
0x87: {  	s12 =	sld [smem:s4+$0x0];
	_ =	sdelay $0x2  }
0x88: {  	s12 =	sand.u32 $0x7F, s12  }
0x89: {  	v4 =	vor.u32 s12, v0;
	_ =	sdelay $0x3  }
0x8a: {  	s4 =	sand.u32 $0x7B, s4  }
0x8b: {  	v5 =	vor.u32 s4, v0;
	v4 =	vld.idx.msk [tilespmem:v4+s24+$0x0], $0xffff  }
0x8c: {  	v49 =	vor.u32 s12, v1;
	_ =	sdelay $0x3  }
0x8d: {  	[tilespmem:v5+s30+$0x0] =	vst.idx.msk $0xffff, v4  }
0x8e: {  	v5 =	vor.u32 s4, v1;
	v4 =	vld.idx.msk [tilespmem:v49+s24+$0x0], $0xffff  }
0x8f: {  	v50 =	vor.u32 s12, v2;
	_ =	sdelay $0x3  }
0x90: {  	[tilespmem:v5+s30+$0x0] =	vst.idx.msk $0xffff, v4  }
0x91: {  	v5 =	vor.u32 s4, v2;
	v4 =	vld.idx.msk [tilespmem:v50+s24+$0x0], $0xffff  }
0x92: {  	v51 =	vor.u32 s12, v3;
	_ =	sdelay $0x3  }
0x93: {  	[tilespmem:v5+s30+$0x0] =	vst.idx.msk $0xffff, v4  }
0x94: {  	v5 =	vor.u32 s4, v3;
	v4 =	vld.idx.msk [tilespmem:v51+s24+$0x0], $0xffff  }
0x95: {  	s4 =	sld @!p0 [smem:s14+$0xB];
	_ =	sdelay $0x2  }
0x96: {  	s4 =	sand.u32 @!p0 $0xFFFFF80, s4  }
0x97: {  	s12 =	simm.s32 @!p0 $0x6200;
	s4 =	sadd.s32 @!p0 s1, s4;
	[tilespmem:v5+s30+$0x0] =	vst.idx.msk $0xffff, v4  }
0x98: {  	[tilespmem:s12], [sflag:$0x4] =	stream.strided.gather @!p0 [hbm4b:s4+s10], $0x2000, s11, s10, $0x38;
	[tilespmem:$0x12200] =	vst v63  }
0x99: {  	_ =	swait.ge [sflag:s2], $0x2000  }
0x9a: {  	[sflag:s2] =	ssyncset.done $0x0  }
0x9b: {  	s4 =	sor.u32 $0x4, s14;
	[sflag:s2] =	ssyncadd.s32 $0xFFFFE000  }
0x9c: {  	s12 =	sld [smem:s4+$0x0];
	_ =	sdelay $0x2  }
0x9d: {  	s12 =	sand.u32 $0x7F, s12  }
0x9e: {  	v4 =	vor.u32 s12, v0;
	_ =	sdelay $0x3  }
0x9f: {  	s4 =	sand.u32 $0x7C, s4  }
0xa0: {  	v5 =	vor.u32 s4, v0;
	v4 =	vld.idx.msk [tilespmem:v4+s25+$0x0], $0xffff  }
0xa1: {  	v52 =	vor.u32 s12, v1;
	_ =	sdelay $0x3  }
0xa2: {  	[tilespmem:v5+s30+$0x0] =	vst.idx.msk $0xffff, v4  }
0xa3: {  	v5 =	vor.u32 s4, v1;
	v4 =	vld.idx.msk [tilespmem:v52+s25+$0x0], $0xffff  }
0xa4: {  	v53 =	vor.u32 s12, v2;
	_ =	sdelay $0x3  }
0xa5: {  	[tilespmem:v5+s30+$0x0] =	vst.idx.msk $0xffff, v4  }
0xa6: {  	v5 =	vor.u32 s4, v2;
	v4 =	vld.idx.msk [tilespmem:v53+s25+$0x0], $0xffff  }
0xa7: {  	v54 =	vor.u32 s12, v3;
	_ =	sdelay $0x3  }
0xa8: {  	[tilespmem:v5+s30+$0x0] =	vst.idx.msk $0xffff, v4  }
0xa9: {  	v5 =	vor.u32 s4, v3;
	v4 =	vld.idx.msk [tilespmem:v54+s25+$0x0], $0xffff  }
0xaa: {  	s4 =	sld @!p0 [smem:s14+$0xC];
	_ =	sdelay $0x2  }
0xab: {  	s4 =	sand.u32 @!p0 $0xFFFFF80, s4  }
0xac: {  	s12 =	simm.s32 @!p0 $0x8200;
	s4 =	sadd.s32 @!p0 s1, s4;
	[tilespmem:v5+s30+$0x0] =	vst.idx.msk $0xffff, v4  }
0xad: {  	[tilespmem:s12], [sflag:$0x5] =	stream.strided.gather @!p0 [hbm4b:s4+s10], $0x2000, s11, s10, $0x38;
	[tilespmem:$0x12200] =	vst v63  }
0xae: {  	_ =	swait.ge [sflag:s15], $0x2000  }
0xaf: {  	[sflag:s15] =	ssyncset.done $0x0  }
0xb0: {  	s4 =	sor.u32 $0x5, s14;
	[sflag:s15] =	ssyncadd.s32 $0xFFFFE000  }
0xb1: {  	s12 =	sld [smem:s4+$0x0];
	_ =	sdelay $0x2  }
0xb2: {  	s12 =	sand.u32 $0x7F, s12  }
0xb3: {  	v4 =	vor.u32 s12, v0;
	_ =	sdelay $0x3  }
0xb4: {  	s4 =	sand.u32 $0x7D, s4  }
0xb5: {  	v5 =	vor.u32 s4, v0;
	v4 =	vld.idx.msk [tilespmem:v4+s26+$0x0], $0xffff  }
0xb6: {  	v55 =	vor.u32 s12, v1;
	_ =	sdelay $0x3  }
0xb7: {  	[tilespmem:v5+s30+$0x0] =	vst.idx.msk $0xffff, v4  }
0xb8: {  	v5 =	vor.u32 s4, v1;
	v4 =	vld.idx.msk [tilespmem:v55+s26+$0x0], $0xffff  }
0xb9: {  	v56 =	vor.u32 s12, v2;
	_ =	sdelay $0x3  }
0xba: {  	[tilespmem:v5+s30+$0x0] =	vst.idx.msk $0xffff, v4  }
0xbb: {  	v5 =	vor.u32 s4, v2;
	v4 =	vld.idx.msk [tilespmem:v56+s26+$0x0], $0xffff  }
0xbc: {  	v57 =	vor.u32 s12, v3;
	_ =	sdelay $0x3  }
0xbd: {  	[tilespmem:v5+s30+$0x0] =	vst.idx.msk $0xffff, v4  }
0xbe: {  	v5 =	vor.u32 s4, v3;
	v4 =	vld.idx.msk [tilespmem:v57+s26+$0x0], $0xffff  }
0xbf: {  	s4 =	sld @!p0 [smem:s14+$0xD];
	_ =	sdelay $0x2  }
0xc0: {  	s4 =	sand.u32 @!p0 $0xFFFFF80, s4  }
0xc1: {  	s12 =	simm.s32 @!p0 $0xA200;
	s4 =	sadd.s32 @!p0 s1, s4;
	[tilespmem:v5+s30+$0x0] =	vst.idx.msk $0xffff, v4  }
0xc2: {  	[tilespmem:s12], [sflag:$0x6] =	stream.strided.gather @!p0 [hbm4b:s4+s10], $0x2000, s11, s10, $0x38;
	[tilespmem:$0x12200] =	vst v63  }
0xc3: {  	_ =	swait.ge [sflag:s17], $0x2000  }
0xc4: {  	[sflag:s17] =	ssyncset.done $0x0  }
0xc5: {  	s4 =	sor.u32 $0x6, s14;
	[sflag:s17] =	ssyncadd.s32 $0xFFFFE000  }
0xc6: {  	s12 =	sld [smem:s4+$0x0];
	_ =	sdelay $0x2  }
0xc7: {  	s12 =	sand.u32 $0x7F, s12  }
0xc8: {  	v4 =	vor.u32 s12, v0;
	_ =	sdelay $0x3  }
0xc9: {  	s4 =	sand.u32 $0x7E, s4  }
0xca: {  	v5 =	vor.u32 s4, v0;
	v4 =	vld.idx.msk [tilespmem:v4+s28+$0x0], $0xffff  }
0xcb: {  	v58 =	vor.u32 s12, v1;
	_ =	sdelay $0x3  }
0xcc: {  	[tilespmem:v5+s30+$0x0] =	vst.idx.msk $0xffff, v4  }
0xcd: {  	v5 =	vor.u32 s4, v1;
	v4 =	vld.idx.msk [tilespmem:v58+s28+$0x0], $0xffff  }
0xce: {  	v59 =	vor.u32 s12, v2;
	_ =	sdelay $0x3  }
0xcf: {  	[tilespmem:v5+s30+$0x0] =	vst.idx.msk $0xffff, v4  }
0xd0: {  	v5 =	vor.u32 s4, v2;
	v4 =	vld.idx.msk [tilespmem:v59+s28+$0x0], $0xffff  }
0xd1: {  	v60 =	vor.u32 s12, v3;
	_ =	sdelay $0x3  }
0xd2: {  	[tilespmem:v5+s30+$0x0] =	vst.idx.msk $0xffff, v4  }
0xd3: {  	v5 =	vor.u32 s4, v3;
	v4 =	vld.idx.msk [tilespmem:v60+s28+$0x0], $0xffff  }
0xd4: {  	s4 =	sld @!p0 [smem:s14+$0xE];
	_ =	sdelay $0x2  }
0xd5: {  	s4 =	sand.u32 @!p0 $0xFFFFF80, s4  }
0xd6: {  	s12 =	simm.s32 @!p0 $0xC200;
	s4 =	sadd.s32 @!p0 s1, s4;
	[tilespmem:v5+s30+$0x0] =	vst.idx.msk $0xffff, v4  }
0xd7: {  	[tilespmem:s12], [sflag:$0x7] =	stream.strided.gather @!p0 [hbm4b:s4+s10], $0x2000, s11, s10, $0x38;
	[tilespmem:$0x12200] =	vst v63  }
0xd8: {  	_ =	swait.ge [sflag:s18], $0x2000  }
0xd9: {  	[sflag:s18] =	ssyncset.done $0x0  }
0xda: {  	[sflag:s18] =	ssyncadd.s32 $0xFFFFE000  }
0xdb: {  	s12 =	sld [smem:s14+$0x7];
	_ =	sdelay $0x2  }
0xdc: {  	s4 =	sand.u32 $0x7F, s12  }
0xdd: {  	v4 =	vor.u32 s4, v0;
	_ =	sdelay $0x3  }
0xde: {  	s9 =	sor.u32 $0x7, s9  }
0xdf: {  	v5 =	vor.u32 s9, v0;
	v4 =	vld.idx.msk [tilespmem:v4+s29+$0x0], $0xffff  }
0xe0: {  	v61 =	vor.u32 s4, v1;
	_ =	sdelay $0x3  }
0xe1: {  	[tilespmem:v5+s30+$0x0] =	vst.idx.msk $0xffff, v4  }
0xe2: {  	v5 =	vor.u32 s9, v1;
	v4 =	vld.idx.msk [tilespmem:v61+s29+$0x0], $0xffff  }
0xe3: {  	v62 =	vor.u32 s4, v2;
	_ =	sdelay $0x3  }
0xe4: {  	[tilespmem:v5+s30+$0x0] =	vst.idx.msk $0xffff, v4  }
0xe5: {  	v5 =	vor.u32 s9, v2;
	v4 =	vld.idx.msk [tilespmem:v62+s29+$0x0], $0xffff  }
0xe6: {  	v63 =	vor.u32 s4, v3;
	_ =	sdelay $0x3  }
0xe7: {  	[tilespmem:v5+s30+$0x0] =	vst.idx.msk $0xffff, v4  }
0xe8: {  	v5 =	vor.u32 s9, v3;
	v4 =	vld.idx.msk [tilespmem:v63+s29+$0x0], $0xffff  }
0xe9: {  	s4 =	sld @!p0 [smem:s14+$0xF];
	_ =	sdelay $0x2  }
0xea: {  	s4 =	sand.u32 @!p0 $0xFFFFF80, s4  }
0xeb: {  	s8 =	sadd.s32 @!p0 $0x1, s8;
	s4 =	sadd.s32 @!p0 s1, s4;
	s9 =	simm.s32 @!p0 $0xE200;
	[tilespmem:v5+s30+$0x0] =	vst.idx.msk $0xffff, v4  }
0xec: {  	[tilespmem:s9], [sflag:$0x8] =	stream.strided.gather @!p0 [hbm4b:s4+s10], $0x2000, s11, s10, $0x38;
	[tilespmem:$0x12200] =	vst v63  }
0xed: {  	s4 =	sand.u32 @!p0 $0xF, s8  }
0xee: {  	p1 =	sne.s32 @!p0 s4, $0x0  }
0xef: {  	p1 =	por p0, !p1  }
.Ltmp4:
0xf0: {  	_ = 	snop;
	(pc) =	sbr.rel @!p1 .LBB2_4-.Ltmp4, $1  }
0xf1: {  	_ =	sdelay $0x3  }
0xf2: {  	s8 =	simm.s32 @p0 $0x40  }
0xf3: {  	s4 =	sshll.u32 s8, $0x3  }
.Ltmp5:
0xf4: {  	s4 =	sadd.s32 s4, s7;
	(pc) =	sbr.rel .LBB2_4-.Ltmp5, $4  }
0xf5: {  	[hbm4b:s4+s19] =	stream.strided.scatter [tilespmem:s30], [sflag:$0x9], $0x2000, s5, s19, $0x38;
	[tilespmem:$0x12200] =	vst v63  }
0xf6: {  	_ =	swait.ge [sflag:s16], $0x2000  }
0xf7: {  	[sflag:s16] =	ssyncset.done $0x0  }
0xf8: {  	[sflag:s16] =	ssyncadd.s32 $0xFFFFE000  }
.LBB2_6:
0xf9: {  	_ =	sfence.sel $0x180000  }
0xfa: {  	[bflag:$0x0] =	sbarrier.arrive $0xFFFF  }
0xfb: {  	_ =	strace $0x90000047  }
0xfc: {  	s0 =	stileid.u32;
	[bflag:$0x2] =	sbarrier.arrive $0xFFFF  }
0xfd: {  	p0 =	sne.s32 s0, $0x0;
	s0 =	rddreg [dreg:$0x4]  }
0xfe: {  	s0 =	sadd.s32 @!p0 $0x100000, s0  }
0xff: {  	[sflag:s0] =	ssyncadd.tile.s32 @!p0 $0x1;
	_ =	shalt  }
.Lfunc_end2:
_tile_overlayer_lowered:
.L_overlay_start_2:
0x100: {  	(tag) =	ssettag $0x2  }
0x101: {  	s0 =	rddreg [dreg:$0x0];
	s2 =	stileid.u32  }
0x102: {  	s1 =	rddreg [dreg:$0x1];
	p0 =	sne.s32 s2, $0x0  }
0x103: {  	s3 =	rddreg [dreg:$0x2];
	[bflag:$0x3] =	sbarrier.arrive $0xFFFF;
	s2 =	simm.s32 @!p0 $0x1C09  }
0x104: {  	[timem:s3], [sflag:s2] =	dma.local @!p0 [hbm:s0], s1  }
0x105: {  	s0 =	simm.s32 @!p0 $0x9  }
0x106: {  	_ =	swait.ge @!p0 [sflag:s0], s1  }
0x107: {  	s1 =	ssub.s32 @!p0 $0x0, s1;
	[sflag:s0] =	ssyncset.done @!p0 $0x0  }
0x108: {  	[sflag:s0] =	ssyncadd.s32 @!p0 s1  }
0x109: {  	[bflag:$0x3] =	sbarrier.arrive $0xFFFF  }
0x10a: {  	_ =	shalt  }

</sc_bundles>
